<compile_context>
chip_gen: v7x
topology: tpu7x:2x2x1
jax: 0.10.2.dev20260603
libtpu: 0.0.44.dev20260713+nightly
codegen_flags: <defaults>
</compile_context>

<pallas_src>
import functools

import jax
import jax.numpy as jnp
from jax import lax
from jax.experimental import pallas as pl
from jax.experimental.pallas import tpu as pltpu
from jax.experimental.pallas import tpu_sc as plsc

_B = 16384
_D = 128
_NW = 32
_BPW = _B // _NW
_NCH = _BPW // 128
_BM = 8192


def _prep_body(ac_ref, bt_ref, rt_ref, at_ref, wo_ref, tj_ref):
    f32 = jnp.float32
    t_ac = jnp.dot(ac_ref[...], wo_ref[pl.ds(0, 32), :], preferred_element_type=f32)
    t_bt = jnp.dot(bt_ref[...], wo_ref[pl.ds(32, 32), :], preferred_element_type=f32)
    t_rt = jnp.dot(rt_ref[...], wo_ref[pl.ds(64, 16), :], preferred_element_type=f32)
    t_at = jnp.dot(at_ref[...], wo_ref[pl.ds(80, 16), :], preferred_element_type=f32)
    j = lax.broadcasted_iota(jnp.int32, (96, 1), 0)
    oh_a = (j // 24 == lax.broadcasted_iota(jnp.int32, (96, 4), 1)).astype(f32)
    oh_b = ((j // 6) % 4 == lax.broadcasted_iota(jnp.int32, (96, 4), 1)).astype(f32)
    oh_r = ((j // 3) % 2 == lax.broadcasted_iota(jnp.int32, (96, 2), 1)).astype(f32)
    oh_t = (j % 3 == lax.broadcasted_iota(jnp.int32, (96, 3), 1)).astype(f32)
    tj = (
        jnp.dot(oh_a, t_ac, preferred_element_type=f32)
        + jnp.dot(oh_b, t_bt, preferred_element_type=f32)
        + jnp.dot(oh_r, t_rt, preferred_element_type=f32)
        + jnp.dot(oh_t, t_at, preferred_element_type=f32)
    )
    for w in range(_NW):
        tj_ref[pl.ds(w * 96, 96), :] = tj


def _build_tj(ac_table, bt_table, rt_table, at_table, Wo):
    return pl.pallas_call(
        _prep_body,
        out_shape=jax.ShapeDtypeStruct((_NW * 96, _D), jnp.float32),
    )(ac_table, bt_table, rt_table, at_table, Wo)


def _sc_gather_body(ac_hbm, bt_hbm, rt_hbm, at_hbm, tj_hbm, out_hbm,
                    a_v, b_v, r_v, t_v, j0_v, j1_v, j2_v, j3_v, rows_v,
                    sem_i, sem_g, sem_o):
    nc = 2
    wid = lax.axis_index("s") * nc + lax.axis_index("c")
    base = wid * _BPW
    cp0 = pltpu.async_copy(ac_hbm.at[pl.ds(base, _BPW)], a_v, sem_i)
    cp1 = pltpu.async_copy(bt_hbm.at[pl.ds(base, _BPW)], b_v, sem_i)
    cp2 = pltpu.async_copy(rt_hbm.at[pl.ds(base, _BPW)], r_v, sem_i)
    cp3 = pltpu.async_copy(at_hbm.at[pl.ds(base, _BPW)], t_v, sem_i)
    cp0.wait(); cp1.wait(); cp2.wait(); cp3.wait()
    j_bufs = [j0_v, j1_v, j2_v, j3_v]
    tbase = wid * 96
    gathers = []
    for c in range(_NCH):
        for kk in range(8):
            k = c * 8 + kk
            sl = pl.ds(k * 16, 16)
            j = ((a_v[sl] * 4 + b_v[sl]) * 2 + r_v[sl]) * 3 + t_v[sl] + tbase
            j_bufs[c][pl.ds(kk * 16, 16)] = j
        gathers.append(pltpu.async_copy(
            tj_hbm.at[j_bufs[c]], rows_v.at[pl.ds(c * 128, 128)], sem_g))
    outs = []
    for c in range(_NCH):
        gathers[c].wait()
        outs.append(pltpu.async_copy(
            rows_v.at[pl.ds(c * 128, 128)],
            out_hbm.at[pl.ds(base + c * 128, 128)], sem_o))
    for cp in outs:
        cp.wait()


def _sc_gather(asset_class, borrower_type, rate_type, amort_type, tj):
    mesh = plsc.VectorSubcoreMesh(core_axis_name="c", subcore_axis_name="s")
    run = functools.partial(
        pl.kernel,
        mesh=mesh,
        out_type=jax.ShapeDtypeStruct((_B, _D), jnp.float32),
        scratch_types=[
            pltpu.VMEM((_BPW,), jnp.int32),
            pltpu.VMEM((_BPW,), jnp.int32),
            pltpu.VMEM((_BPW,), jnp.int32),
            pltpu.VMEM((_BPW,), jnp.int32),
            pltpu.VMEM((128,), jnp.int32),
            pltpu.VMEM((128,), jnp.int32),
            pltpu.VMEM((128,), jnp.int32),
            pltpu.VMEM((128,), jnp.int32),
            pltpu.VMEM((_BPW, _D), jnp.float32),
            pltpu.SemaphoreType.DMA,
            pltpu.SemaphoreType.DMA,
            pltpu.SemaphoreType.DMA,
        ],
    )(_sc_gather_body)
    return run(asset_class, borrower_type, rate_type, amort_type, tj)


def _main_body(x_ref, part_ref, w1_ref, b1_ref, w2_ref, b2_ref, wo_ref, bo_ref,
               out_ref):
    f32 = jnp.float32
    h = jnp.maximum(
        jnp.dot(x_ref[...], w1_ref[...], preferred_element_type=f32) + b1_ref[...],
        0.0,
    )
    wo5 = wo_ref[pl.ds(96, 32), :]
    w2o = jnp.dot(w2_ref[...], wo5, preferred_element_type=f32)
    cvec = jnp.dot(b2_ref[...], wo5, preferred_element_type=f32) + bo_ref[...]
    out_ref[...] = jnp.dot(h, w2o, preferred_element_type=f32) + part_ref[...] + cvec


def _main(x, part, W1, b1, W2, b2, Wo, bo):
    return pl.pallas_call(
        _main_body,
        grid=(_B // _BM,),
        in_specs=[
            pl.BlockSpec((_BM, 12), lambda i: (i, 0)),
            pl.BlockSpec((_BM, _D), lambda i: (i, 0)),
            pl.BlockSpec((12, 64), lambda i: (0, 0)),
            pl.BlockSpec((1, 64), lambda i: (0, 0)),
            pl.BlockSpec((64, 32), lambda i: (0, 0)),
            pl.BlockSpec((1, 32), lambda i: (0, 0)),
            pl.BlockSpec((_D, _D), lambda i: (0, 0)),
            pl.BlockSpec((1, _D), lambda i: (0, 0)),
        ],
        out_specs=pl.BlockSpec((_BM, _D), lambda i: (i, 0)),
        out_shape=jax.ShapeDtypeStruct((_B, _D), jnp.float32),
    )(x, part, W1, b1, W2, b2, Wo, bo)


def kernel(asset_class, borrower_type, rate_type, amort_type, continuous_features,
           ac_table, bt_table, rt_table, at_table, W1, b1, W2, b2, Wo, bo):
    tj = _build_tj(ac_table, bt_table, rt_table, at_table, Wo)
    part = _sc_gather(asset_class, borrower_type, rate_type, amort_type, tj)
    return _main(
        continuous_features, part,
        W1, b1.reshape(1, 64), W2, b2.reshape(1, 32), Wo, bo.reshape(1, _D),
    )

# --- scband reference (transcript-rebuilt; emitter-appended) ---
"""Pipeline reference for scband-loan-embedding-29978871726106 (READ-ONLY COPY).

The authoritative reference and input builder live on the scoring server;
editing this copy changes nothing except your own understanding.
"""

import jax, jax.numpy as jnp
import numpy as np

B = 16384
D_MODEL = 128


def setup_inputs(seed: int = 0) -> dict:
    key = jax.random.key(seed)
    ks = jax.random.split(key, 16)
    d4 = D_MODEL // 4  # 32
    d8 = D_MODEL // 8  # 16
    n_cont = 12
    inp = {}
    inp['asset_class'] = jax.random.randint(ks[0], (B,), 0, 4, dtype=jnp.int32)
    inp['borrower_type'] = jax.random.randint(ks[1], (B,), 0, 4, dtype=jnp.int32)
    inp['rate_type'] = jax.random.randint(ks[2], (B,), 0, 2, dtype=jnp.int32)
    inp['amort_type'] = jax.random.randint(ks[3], (B,), 0, 3, dtype=jnp.int32)
    inp['continuous_features'] = jax.random.normal(ks[4], (B, n_cont), dtype=jnp.float32)
    # learned parameters
    inp['ac_table'] = jax.random.normal(ks[5], (4, d4), dtype=jnp.float32) * 0.02
    inp['bt_table'] = jax.random.normal(ks[6], (4, d4), dtype=jnp.float32) * 0.02
    inp['rt_table'] = jax.random.normal(ks[7], (2, d8), dtype=jnp.float32) * 0.02
    inp['at_table'] = jax.random.normal(ks[8], (3, d8), dtype=jnp.float32) * 0.02
    inp['W1'] = jax.random.normal(ks[9], (n_cont, D_MODEL // 2), dtype=jnp.float32) * (1.0 / np.sqrt(n_cont))
    inp['b1'] = jnp.zeros((D_MODEL // 2,), dtype=jnp.float32)
    inp['W2'] = jax.random.normal(ks[10], (D_MODEL // 2, d4), dtype=jnp.float32) * (1.0 / np.sqrt(D_MODEL // 2))
    inp['b2'] = jnp.zeros((d4,), dtype=jnp.float32)
    inp['Wo'] = jax.random.normal(ks[11], (D_MODEL, D_MODEL), dtype=jnp.float32) * (1.0 / np.sqrt(D_MODEL))
    inp['bo'] = jnp.zeros((D_MODEL,), dtype=jnp.float32)
    return inp


def reference(asset_class, borrower_type, rate_type, amort_type, continuous_features,
              ac_table, bt_table, rt_table, at_table, W1, b1, W2, b2, Wo, bo):
    ac_emb = jnp.take(ac_table, asset_class, axis=0)
    bt_emb = jnp.take(bt_table, borrower_type, axis=0)
    rt_emb = jnp.take(rt_table, rate_type, axis=0)
    at_emb = jnp.take(at_table, amort_type, axis=0)
    h = jax.nn.relu(continuous_features @ W1 + b1)
    cont_emb = h @ W2 + b2
    combined = jnp.concatenate([ac_emb, bt_emb, rt_emb, at_emb, cont_emb], axis=-1)
    return combined @ Wo + bo

if __name__ == "__main__":
    import jax
    _d = setup_inputs()
    print(jax.jit(kernel)(*tuple(_d.values())))

</pallas_src>

<mosaic_0001>
#map = affine_map<(d0, d1) -> (0)>
#map1 = affine_map<(d0, d1) -> (0, 0)>
module attributes {stable_mosaic.version = 14 : i64} {
  func.func @_sc_gather_body(%arg0: i32, %arg1: i32, %arg2: memref<16384xi32, #tpu.memory_space<hbm>>, %arg3: memref<16384xi32, #tpu.memory_space<hbm>>, %arg4: memref<16384xi32, #tpu.memory_space<hbm>>, %arg5: memref<16384xi32, #tpu.memory_space<hbm>>, %arg6: memref<3072x128xf32, #tpu.memory_space<hbm>>, %arg7: memref<16384x128xf32, #tpu.memory_space<hbm>>, %arg8: memref<512xi32, #tpu.memory_space<vmem>>, %arg9: memref<512xi32, #tpu.memory_space<vmem>>, %arg10: memref<512xi32, #tpu.memory_space<vmem>>, %arg11: memref<512xi32, #tpu.memory_space<vmem>>, %arg12: memref<128xi32, #tpu.memory_space<vmem>>, %arg13: memref<128xi32, #tpu.memory_space<vmem>>, %arg14: memref<128xi32, #tpu.memory_space<vmem>>, %arg15: memref<128xi32, #tpu.memory_space<vmem>>, %arg16: memref<512x128xf32, #tpu.memory_space<vmem>>, %arg17: memref<!tpu.dma_semaphore, #tpu.memory_space<semaphore_mem>>, %arg18: memref<!tpu.dma_semaphore, #tpu.memory_space<semaphore_mem>>, %arg19: memref<!tpu.dma_semaphore, #tpu.memory_space<semaphore_mem>>) attributes {dimension_semantics = [#tpu.dimension_semantics<core_parallel>, #tpu.dimension_semantics<subcore_parallel>], iteration_bounds = array<i64: 2, 16>, scalar_prefetch = 0 : i64, scratch_operands = 12 : i64, tpu.core_type = #tpu.core_type<sc_vector_subcore>, window_params = [{transform_indices = #map}, {transform_indices = #map}, {transform_indices = #map}, {transform_indices = #map}, {transform_indices = #map1}, {transform_indices = #map1}]} {
    %mul3A = arith.constant 2 : i32
    %mul3A_0 = arith.muli %arg1, %mul3A : i32
    %add3A = arith.addi %mul3A_0, %arg0 : i32
    %mul3A_1 = arith.constant 512 : i32
    %mul3A_2 = arith.muli %add3A, %mul3A_1 : i32
    %dma_start3A = tpu.memref_slice %arg2[%mul3A_2] : memref<16384xi32, #tpu.memory_space<hbm>> -> memref<512xi32, #tpu.memory_space<hbm>>
    %dma_start3A_3 = tpu.memref_slice %arg2[%mul3A_2] : memref<16384xi32, #tpu.memory_space<hbm>> -> memref<512xi32, #tpu.memory_space<hbm>>
    tpu.enqueue_dma source(%dma_start3A_3 : memref<512xi32, #tpu.memory_space<hbm>>) target(%arg8 : memref<512xi32, #tpu.memory_space<vmem>>) target_semaphore(%arg17 : memref<!tpu.dma_semaphore, #tpu.memory_space<semaphore_mem>>)
    %dma_start3A_4 = tpu.memref_slice %arg3[%mul3A_2] : memref<16384xi32, #tpu.memory_space<hbm>> -> memref<512xi32, #tpu.memory_space<hbm>>
    %dma_start3A_5 = tpu.memref_slice %arg3[%mul3A_2] : memref<16384xi32, #tpu.memory_space<hbm>> -> memref<512xi32, #tpu.memory_space<hbm>>
    tpu.enqueue_dma source(%dma_start3A_5 : memref<512xi32, #tpu.memory_space<hbm>>) target(%arg9 : memref<512xi32, #tpu.memory_space<vmem>>) target_semaphore(%arg17 : memref<!tpu.dma_semaphore, #tpu.memory_space<semaphore_mem>>)
    %dma_start3A_6 = tpu.memref_slice %arg4[%mul3A_2] : memref<16384xi32, #tpu.memory_space<hbm>> -> memref<512xi32, #tpu.memory_space<hbm>>
    %dma_start3A_7 = tpu.memref_slice %arg4[%mul3A_2] : memref<16384xi32, #tpu.memory_space<hbm>> -> memref<512xi32, #tpu.memory_space<hbm>>
    tpu.enqueue_dma source(%dma_start3A_7 : memref<512xi32, #tpu.memory_space<hbm>>) target(%arg10 : memref<512xi32, #tpu.memory_space<vmem>>) target_semaphore(%arg17 : memref<!tpu.dma_semaphore, #tpu.memory_space<semaphore_mem>>)
    %dma_start3A_8 = tpu.memref_slice %arg5[%mul3A_2] : memref<16384xi32, #tpu.memory_space<hbm>> -> memref<512xi32, #tpu.memory_space<hbm>>
    %dma_start3A_9 = tpu.memref_slice %arg5[%mul3A_2] : memref<16384xi32, #tpu.memory_space<hbm>> -> memref<512xi32, #tpu.memory_space<hbm>>
    tpu.enqueue_dma source(%dma_start3A_9 : memref<512xi32, #tpu.memory_space<hbm>>) target(%arg11 : memref<512xi32, #tpu.memory_space<vmem>>) target_semaphore(%arg17 : memref<!tpu.dma_semaphore, #tpu.memory_space<semaphore_mem>>)
    %dma_wait3A = tpu.memref_slice %arg2[%mul3A_2] : memref<16384xi32, #tpu.memory_space<hbm>> -> memref<512xi32, #tpu.memory_space<hbm>>
    %dma_wait3A_10 = tpu.memref_slice %arg2[%mul3A_2] : memref<16384xi32, #tpu.memory_space<hbm>> -> memref<512xi32, #tpu.memory_space<hbm>>
    tpu.wait_dma2 semaphore(%arg17 : memref<!tpu.dma_semaphore, #tpu.memory_space<semaphore_mem>>) src(%dma_wait3A_10 : memref<512xi32, #tpu.memory_space<hbm>>) dst(%arg8 : memref<512xi32, #tpu.memory_space<vmem>>)
    %dma_wait3A_11 = tpu.memref_slice %arg3[%mul3A_2] : memref<16384xi32, #tpu.memory_space<hbm>> -> memref<512xi32, #tpu.memory_space<hbm>>
    %dma_wait3A_12 = tpu.memref_slice %arg3[%mul3A_2] : memref<16384xi32, #tpu.memory_space<hbm>> -> memref<512xi32, #tpu.memory_space<hbm>>
    tpu.wait_dma2 semaphore(%arg17 : memref<!tpu.dma_semaphore, #tpu.memory_space<semaphore_mem>>) src(%dma_wait3A_12 : memref<512xi32, #tpu.memory_space<hbm>>) dst(%arg9 : memref<512xi32, #tpu.memory_space<vmem>>)
    %dma_wait3A_13 = tpu.memref_slice %arg4[%mul3A_2] : memref<16384xi32, #tpu.memory_space<hbm>> -> memref<512xi32, #tpu.memory_space<hbm>>
    %dma_wait3A_14 = tpu.memref_slice %arg4[%mul3A_2] : memref<16384xi32, #tpu.memory_space<hbm>> -> memref<512xi32, #tpu.memory_space<hbm>>
    tpu.wait_dma2 semaphore(%arg17 : memref<!tpu.dma_semaphore, #tpu.memory_space<semaphore_mem>>) src(%dma_wait3A_14 : memref<512xi32, #tpu.memory_space<hbm>>) dst(%arg10 : memref<512xi32, #tpu.memory_space<vmem>>)
    %dma_wait3A_15 = tpu.memref_slice %arg5[%mul3A_2] : memref<16384xi32, #tpu.memory_space<hbm>> -> memref<512xi32, #tpu.memory_space<hbm>>
    %dma_wait3A_16 = tpu.memref_slice %arg5[%mul3A_2] : memref<16384xi32, #tpu.memory_space<hbm>> -> memref<512xi32, #tpu.memory_space<hbm>>
    tpu.wait_dma2 semaphore(%arg17 : memref<!tpu.dma_semaphore, #tpu.memory_space<semaphore_mem>>) src(%dma_wait3A_16 : memref<512xi32, #tpu.memory_space<hbm>>) dst(%arg11 : memref<512xi32, #tpu.memory_space<vmem>>)
    %mul3A_17 = arith.constant 96 : i32
    %mul3A_18 = arith.muli %add3A, %mul3A_17 : i32
    %get3A = arith.constant 0 : index
    %get3A_19 = tpu.vector_load %arg8[%get3A] {strides = array<i32>} : memref<512xi32, #tpu.memory_space<vmem>>, vector<16xi32>,
    %get3A_20 = vector.shape_cast %get3A_19 : vector<16xi32> to vector<16xi32>
    %mul3A_21 = arith.constant 4 : i32
    %mul3A_22 = vector.broadcast %mul3A_21 : i32 to vector<16xi32>
    %mul3A_23 = arith.muli %get3A_20, %mul3A_22 : vector<16xi32>
    %get3A_24 = arith.constant 0 : index
    %get3A_25 = tpu.vector_load %arg9[%get3A_24] {strides = array<i32>} : memref<512xi32, #tpu.memory_space<vmem>>, vector<16xi32>,
    %get3A_26 = vector.shape_cast %get3A_25 : vector<16xi32> to vector<16xi32>
    %add3A_27 = arith.addi %mul3A_23, %get3A_26 : vector<16xi32>
    %mul3A_28 = arith.constant 2 : i32
    %mul3A_29 = vector.broadcast %mul3A_28 : i32 to vector<16xi32>
    %mul3A_30 = arith.muli %add3A_27, %mul3A_29 : vector<16xi32>
    %get3A_31 = arith.constant 0 : index
    %get3A_32 = tpu.vector_load %arg10[%get3A_31] {strides = array<i32>} : memref<512xi32, #tpu.memory_space<vmem>>, vector<16xi32>,
    %get3A_33 = vector.shape_cast %get3A_32 : vector<16xi32> to vector<16xi32>
    %add3A_34 = arith.addi %mul3A_30, %get3A_33 : vector<16xi32>
    %mul3A_35 = arith.constant 3 : i32
    %mul3A_36 = vector.broadcast %mul3A_35 : i32 to vector<16xi32>
    %mul3A_37 = arith.muli %add3A_34, %mul3A_36 : vector<16xi32>
    %get3A_38 = arith.constant 0 : index
    %get3A_39 = tpu.vector_load %arg11[%get3A_38] {strides = array<i32>} : memref<512xi32, #tpu.memory_space<vmem>>, vector<16xi32>,
    %get3A_40 = vector.shape_cast %get3A_39 : vector<16xi32> to vector<16xi32>
    %add3A_41 = arith.addi %mul3A_37, %get3A_40 : vector<16xi32>
    %add3A_42 = vector.broadcast %mul3A_18 : i32 to vector<16xi32>
    %add3A_43 = arith.addi %add3A_41, %add3A_42 : vector<16xi32>
    %swap3A = arith.constant 0 : index
    %swap3A_44 = tpu.vector_load %arg12[%swap3A] {strides = array<i32>} : memref<128xi32, #tpu.memory_space<vmem>>, vector<16xi32>,
    %swap3A_45 = vector.shape_cast %swap3A_44 : vector<16xi32> to vector<16xi32>
    %swap3A_46 = vector.shape_cast %add3A_43 : vector<16xi32> to vector<16xi32>
    tpu.vector_store %arg12[%swap3A], %swap3A_46 {strides = array<i32>} : memref<128xi32, #tpu.memory_space<vmem>>, vector<16xi32>,
    %get3A_47 = arith.constant 16 : index
    %get3A_48 = tpu.vector_load %arg8[%get3A_47] {strides = array<i32>} : memref<512xi32, #tpu.memory_space<vmem>>, vector<16xi32>,
    %get3A_49 = vector.shape_cast %get3A_48 : vector<16xi32> to vector<16xi32>
    %mul3A_50 = arith.constant 4 : i32
    %mul3A_51 = vector.broadcast %mul3A_50 : i32 to vector<16xi32>
    %mul3A_52 = arith.muli %get3A_49, %mul3A_51 : vector<16xi32>
    %get3A_53 = arith.constant 16 : index
    %get3A_54 = tpu.vector_load %arg9[%get3A_53] {strides = array<i32>} : memref<512xi32, #tpu.memory_space<vmem>>, vector<16xi32>,
    %get3A_55 = vector.shape_cast %get3A_54 : vector<16xi32> to vector<16xi32>
    %add3A_56 = arith.addi %mul3A_52, %get3A_55 : vector<16xi32>
    %mul3A_57 = arith.constant 2 : i32
    %mul3A_58 = vector.broadcast %mul3A_57 : i32 to vector<16xi32>
    %mul3A_59 = arith.muli %add3A_56, %mul3A_58 : vector<16xi32>
    %get3A_60 = arith.constant 16 : index
    %get3A_61 = tpu.vector_load %arg10[%get3A_60] {strides = array<i32>} : memref<512xi32, #tpu.memory_space<vmem>>, vector<16xi32>,
    %get3A_62 = vector.shape_cast %get3A_61 : vector<16xi32> to vector<16xi32>
    %add3A_63 = arith.addi %mul3A_59, %get3A_62 : vector<16xi32>
    %mul3A_64 = arith.constant 3 : i32
    %mul3A_65 = vector.broadcast %mul3A_64 : i32 to vector<16xi32>
    %mul3A_66 = arith.muli %add3A_63, %mul3A_65 : vector<16xi32>
    %get3A_67 = arith.constant 16 : index
    %get3A_68 = tpu.vector_load %arg11[%get3A_67] {strides = array<i32>} : memref<512xi32, #tpu.memory_space<vmem>>, vector<16xi32>,
    %get3A_69 = vector.shape_cast %get3A_68 : vector<16xi32> to vector<16xi32>
    %add3A_70 = arith.addi %mul3A_66, %get3A_69 : vector<16xi32>
    %add3A_71 = vector.broadcast %mul3A_18 : i32 to vector<16xi32>
    %add3A_72 = arith.addi %add3A_70, %add3A_71 : vector<16xi32>
    %swap3A_73 = arith.constant 16 : index
    %swap3A_74 = tpu.vector_load %arg12[%swap3A_73] {strides = array<i32>} : memref<128xi32, #tpu.memory_space<vmem>>, vector<16xi32>,
    %swap3A_75 = vector.shape_cast %swap3A_74 : vector<16xi32> to vector<16xi32>
    %swap3A_76 = vector.shape_cast %add3A_72 : vector<16xi32> to vector<16xi32>
    tpu.vector_store %arg12[%swap3A_73], %swap3A_76 {strides = array<i32>} : memref<128xi32, #tpu.memory_space<vmem>>, vector<16xi32>,
    %get3A_77 = arith.constant 32 : index
    %get3A_78 = tpu.vector_load %arg8[%get3A_77] {strides = array<i32>} : memref<512xi32, #tpu.memory_space<vmem>>, vector<16xi32>,
    %get3A_79 = vector.shape_cast %get3A_78 : vector<16xi32> to vector<16xi32>
    %mul3A_80 = arith.constant 4 : i32
    %mul3A_81 = vector.broadcast %mul3A_80 : i32 to vector<16xi32>
    %mul3A_82 = arith.muli %get3A_79, %mul3A_81 : vector<16xi32>
    %get3A_83 = arith.constant 32 : index
    %get3A_84 = tpu.vector_load %arg9[%get3A_83] {strides = array<i32>} : memref<512xi32, #tpu.memory_space<vmem>>, vector<16xi32>,
    %get3A_85 = vector.shape_cast %get3A_84 : vector<16xi32> to vector<16xi32>
    %add3A_86 = arith.addi %mul3A_82, %get3A_85 : vector<16xi32>
    %mul3A_87 = arith.constant 2 : i32
    %mul3A_88 = vector.broadcast %mul3A_87 : i32 to vector<16xi32>
    %mul3A_89 = arith.muli %add3A_86, %mul3A_88 : vector<16xi32>
    %get3A_90 = arith.constant 32 : index
    %get3A_91 = tpu.vector_load %arg10[%get3A_90] {strides = array<i32>} : memref<512xi32, #tpu.memory_space<vmem>>, vector<16xi32>,
    %get3A_92 = vector.shape_cast %get3A_91 : vector<16xi32> to vector<16xi32>
    %add3A_93 = arith.addi %mul3A_89, %get3A_92 : vector<16xi32>
    %mul3A_94 = arith.constant 3 : i32
    %mul3A_95 = vector.broadcast %mul3A_94 : i32 to vector<16xi32>
    %mul3A_96 = arith.muli %add3A_93, %mul3A_95 : vector<16xi32>
    %get3A_97 = arith.constant 32 : index
    %get3A_98 = tpu.vector_load %arg11[%get3A_97] {strides = array<i32>} : memref<512xi32, #tpu.memory_space<vmem>>, vector<16xi32>,
    %get3A_99 = vector.shape_cast %get3A_98 : vector<16xi32> to vector<16xi32>
    %add3A_100 = arith.addi %mul3A_96, %get3A_99 : vector<16xi32>
    %add3A_101 = vector.broadcast %mul3A_18 : i32 to vector<16xi32>
    %add3A_102 = arith.addi %add3A_100, %add3A_101 : vector<16xi32>
    %swap3A_103 = arith.constant 32 : index
    %swap3A_104 = tpu.vector_load %arg12[%swap3A_103] {strides = array<i32>} : memref<128xi32, #tpu.memory_space<vmem>>, vector<16xi32>,
    %swap3A_105 = vector.shape_cast %swap3A_104 : vector<16xi32> to vector<16xi32>
    %swap3A_106 = vector.shape_cast %add3A_102 : vector<16xi32> to vector<16xi32>
    tpu.vector_store %arg12[%swap3A_103], %swap3A_106 {strides = array<i32>} : memref<128xi32, #tpu.memory_space<vmem>>, vector<16xi32>,
    %get3A_107 = arith.constant 48 : index
    %get3A_108 = tpu.vector_load %arg8[%get3A_107] {strides = array<i32>} : memref<512xi32, #tpu.memory_space<vmem>>, vector<16xi32>,
    %get3A_109 = vector.shape_cast %get3A_108 : vector<16xi32> to vector<16xi32>
    %mul3A_110 = arith.constant 4 : i32
    %mul3A_111 = vector.broadcast %mul3A_110 : i32 to vector<16xi32>
    %mul3A_112 = arith.muli %get3A_109, %mul3A_111 : vector<16xi32>
    %get3A_113 = arith.constant 48 : index
    %get3A_114 = tpu.vector_load %arg9[%get3A_113] {strides = array<i32>} : memref<512xi32, #tpu.memory_space<vmem>>, vector<16xi32>,
    %get3A_115 = vector.shape_cast %get3A_114 : vector<16xi32> to vector<16xi32>
    %add3A_116 = arith.addi %mul3A_112, %get3A_115 : vector<16xi32>
    %mul3A_117 = arith.constant 2 : i32
    %mul3A_118 = vector.broadcast %mul3A_117 : i32 to vector<16xi32>
    %mul3A_119 = arith.muli %add3A_116, %mul3A_118 : vector<16xi32>
    %get3A_120 = arith.constant 48 : index
    %get3A_121 = tpu.vector_load %arg10[%get3A_120] {strides = array<i32>} : memref<512xi32, #tpu.memory_space<vmem>>, vector<16xi32>,
    %get3A_122 = vector.shape_cast %get3A_121 : vector<16xi32> to vector<16xi32>
    %add3A_123 = arith.addi %mul3A_119, %get3A_122 : vector<16xi32>
    %mul3A_124 = arith.constant 3 : i32
    %mul3A_125 = vector.broadcast %mul3A_124 : i32 to vector<16xi32>
    %mul3A_126 = arith.muli %add3A_123, %mul3A_125 : vector<16xi32>
    %get3A_127 = arith.constant 48 : index
    %get3A_128 = tpu.vector_load %arg11[%get3A_127] {strides = array<i32>} : memref<512xi32, #tpu.memory_space<vmem>>, vector<16xi32>,
    %get3A_129 = vector.shape_cast %get3A_128 : vector<16xi32> to vector<16xi32>
    %add3A_130 = arith.addi %mul3A_126, %get3A_129 : vector<16xi32>
    %add3A_131 = vector.broadcast %mul3A_18 : i32 to vector<16xi32>
    %add3A_132 = arith.addi %add3A_130, %add3A_131 : vector<16xi32>
    %swap3A_133 = arith.constant 48 : index
    %swap3A_134 = tpu.vector_load %arg12[%swap3A_133] {strides = array<i32>} : memref<128xi32, #tpu.memory_space<vmem>>, vector<16xi32>,
    %swap3A_135 = vector.shape_cast %swap3A_134 : vector<16xi32> to vector<16xi32>
    %swap3A_136 = vector.shape_cast %add3A_132 : vector<16xi32> to vector<16xi32>
    tpu.vector_store %arg12[%swap3A_133], %swap3A_136 {strides = array<i32>} : memref<128xi32, #tpu.memory_space<vmem>>, vector<16xi32>,
    %get3A_137 = arith.constant 64 : index
    %get3A_138 = tpu.vector_load %arg8[%get3A_137] {strides = array<i32>} : memref<512xi32, #tpu.memory_space<vmem>>, vector<16xi32>,
    %get3A_139 = vector.shape_cast %get3A_138 : vector<16xi32> to vector<16xi32>
    %mul3A_140 = arith.constant 4 : i32
    %mul3A_141 = vector.broadcast %mul3A_140 : i32 to vector<16xi32>
    %mul3A_142 = arith.muli %get3A_139, %mul3A_141 : vector<16xi32>
    %get3A_143 = arith.constant 64 : index
    %get3A_144 = tpu.vector_load %arg9[%get3A_143] {strides = array<i32>} : memref<512xi32, #tpu.memory_space<vmem>>, vector<16xi32>,
    %get3A_145 = vector.shape_cast %get3A_144 : vector<16xi32> to vector<16xi32>
    %add3A_146 = arith.addi %mul3A_142, %get3A_145 : vector<16xi32>
    %mul3A_147 = arith.constant 2 : i32
    %mul3A_148 = vector.broadcast %mul3A_147 : i32 to vector<16xi32>
    %mul3A_149 = arith.muli %add3A_146, %mul3A_148 : vector<16xi32>
    %get3A_150 = arith.constant 64 : index
    %get3A_151 = tpu.vector_load %arg10[%get3A_150] {strides = array<i32>} : memref<512xi32, #tpu.memory_space<vmem>>, vector<16xi32>,
    %get3A_152 = vector.shape_cast %get3A_151 : vector<16xi32> to vector<16xi32>
    %add3A_153 = arith.addi %mul3A_149, %get3A_152 : vector<16xi32>
    %mul3A_154 = arith.constant 3 : i32
    %mul3A_155 = vector.broadcast %mul3A_154 : i32 to vector<16xi32>
    %mul3A_156 = arith.muli %add3A_153, %mul3A_155 : vector<16xi32>
    %get3A_157 = arith.constant 64 : index
    %get3A_158 = tpu.vector_load %arg11[%get3A_157] {strides = array<i32>} : memref<512xi32, #tpu.memory_space<vmem>>, vector<16xi32>,
    %get3A_159 = vector.shape_cast %get3A_158 : vector<16xi32> to vector<16xi32>
    %add3A_160 = arith.addi %mul3A_156, %get3A_159 : vector<16xi32>
    %add3A_161 = vector.broadcast %mul3A_18 : i32 to vector<16xi32>
    %add3A_162 = arith.addi %add3A_160, %add3A_161 : vector<16xi32>
    %swap3A_163 = arith.constant 64 : index
    %swap3A_164 = tpu.vector_load %arg12[%swap3A_163] {strides = array<i32>} : memref<128xi32, #tpu.memory_space<vmem>>, vector<16xi32>,
    %swap3A_165 = vector.shape_cast %swap3A_164 : vector<16xi32> to vector<16xi32>
    %swap3A_166 = vector.shape_cast %add3A_162 : vector<16xi32> to vector<16xi32>
    tpu.vector_store %arg12[%swap3A_163], %swap3A_166 {strides = array<i32>} : memref<128xi32, #tpu.memory_space<vmem>>, vector<16xi32>,
    %get3A_167 = arith.constant 80 : index
    %get3A_168 = tpu.vector_load %arg8[%get3A_167] {strides = array<i32>} : memref<512xi32, #tpu.memory_space<vmem>>, vector<16xi32>,
    %get3A_169 = vector.shape_cast %get3A_168 : vector<16xi32> to vector<16xi32>
    %mul3A_170 = arith.constant 4 : i32
    %mul3A_171 = vector.broadcast %mul3A_170 : i32 to vector<16xi32>
    %mul3A_172 = arith.muli %get3A_169, %mul3A_171 : vector<16xi32>
    %get3A_173 = arith.constant 80 : index
    %get3A_174 = tpu.vector_load %arg9[%get3A_173] {strides = array<i32>} : memref<512xi32, #tpu.memory_space<vmem>>, vector<16xi32>,
    %get3A_175 = vector.shape_cast %get3A_174 : vector<16xi32> to vector<16xi32>
    %add3A_176 = arith.addi %mul3A_172, %get3A_175 : vector<16xi32>
    %mul3A_177 = arith.constant 2 : i32
    %mul3A_178 = vector.broadcast %mul3A_177 : i32 to vector<16xi32>
    %mul3A_179 = arith.muli %add3A_176, %mul3A_178 : vector<16xi32>
    %get3A_180 = arith.constant 80 : index
    %get3A_181 = tpu.vector_load %arg10[%get3A_180] {strides = array<i32>} : memref<512xi32, #tpu.memory_space<vmem>>, vector<16xi32>,
    %get3A_182 = vector.shape_cast %get3A_181 : vector<16xi32> to vector<16xi32>
    %add3A_183 = arith.addi %mul3A_179, %get3A_182 : vector<16xi32>
    %mul3A_184 = arith.constant 3 : i32
    %mul3A_185 = vector.broadcast %mul3A_184 : i32 to vector<16xi32>
    %mul3A_186 = arith.muli %add3A_183, %mul3A_185 : vector<16xi32>
    %get3A_187 = arith.constant 80 : index
    %get3A_188 = tpu.vector_load %arg11[%get3A_187] {strides = array<i32>} : memref<512xi32, #tpu.memory_space<vmem>>, vector<16xi32>,
    %get3A_189 = vector.shape_cast %get3A_188 : vector<16xi32> to vector<16xi32>
    %add3A_190 = arith.addi %mul3A_186, %get3A_189 : vector<16xi32>
    %add3A_191 = vector.broadcast %mul3A_18 : i32 to vector<16xi32>
    %add3A_192 = arith.addi %add3A_190, %add3A_191 : vector<16xi32>
    %swap3A_193 = arith.constant 80 : index
    %swap3A_194 = tpu.vector_load %arg12[%swap3A_193] {strides = array<i32>} : memref<128xi32, #tpu.memory_space<vmem>>, vector<16xi32>,
    %swap3A_195 = vector.shape_cast %swap3A_194 : vector<16xi32> to vector<16xi32>
    %swap3A_196 = vector.shape_cast %add3A_192 : vector<16xi32> to vector<16xi32>
    tpu.vector_store %arg12[%swap3A_193], %swap3A_196 {strides = array<i32>} : memref<128xi32, #tpu.memory_space<vmem>>, vector<16xi32>,
    %get3A_197 = arith.constant 96 : index
    %get3A_198 = tpu.vector_load %arg8[%get3A_197] {strides = array<i32>} : memref<512xi32, #tpu.memory_space<vmem>>, vector<16xi32>,
    %get3A_199 = vector.shape_cast %get3A_198 : vector<16xi32> to vector<16xi32>
    %mul3A_200 = arith.constant 4 : i32
    %mul3A_201 = vector.broadcast %mul3A_200 : i32 to vector<16xi32>
    %mul3A_202 = arith.muli %get3A_199, %mul3A_201 : vector<16xi32>
    %get3A_203 = arith.constant 96 : index
    %get3A_204 = tpu.vector_load %arg9[%get3A_203] {strides = array<i32>} : memref<512xi32, #tpu.memory_space<vmem>>, vector<16xi32>,
    %get3A_205 = vector.shape_cast %get3A_204 : vector<16xi32> to vector<16xi32>
    %add3A_206 = arith.addi %mul3A_202, %get3A_205 : vector<16xi32>
    %mul3A_207 = arith.constant 2 : i32
    %mul3A_208 = vector.broadcast %mul3A_207 : i32 to vector<16xi32>
    %mul3A_209 = arith.muli %add3A_206, %mul3A_208 : vector<16xi32>
    %get3A_210 = arith.constant 96 : index
    %get3A_211 = tpu.vector_load %arg10[%get3A_210] {strides = array<i32>} : memref<512xi32, #tpu.memory_space<vmem>>, vector<16xi32>,
    %get3A_212 = vector.shape_cast %get3A_211 : vector<16xi32> to vector<16xi32>
    %add3A_213 = arith.addi %mul3A_209, %get3A_212 : vector<16xi32>
    %mul3A_214 = arith.constant 3 : i32
    %mul3A_215 = vector.broadcast %mul3A_214 : i32 to vector<16xi32>
    %mul3A_216 = arith.muli %add3A_213, %mul3A_215 : vector<16xi32>
    %get3A_217 = arith.constant 96 : index
    %get3A_218 = tpu.vector_load %arg11[%get3A_217] {strides = array<i32>} : memref<512xi32, #tpu.memory_space<vmem>>, vector<16xi32>,
    %get3A_219 = vector.shape_cast %get3A_218 : vector<16xi32> to vector<16xi32>
    %add3A_220 = arith.addi %mul3A_216, %get3A_219 : vector<16xi32>
    %add3A_221 = vector.broadcast %mul3A_18 : i32 to vector<16xi32>
    %add3A_222 = arith.addi %add3A_220, %add3A_221 : vector<16xi32>
    %swap3A_223 = arith.constant 96 : index
    %swap3A_224 = tpu.vector_load %arg12[%swap3A_223] {strides = array<i32>} : memref<128xi32, #tpu.memory_space<vmem>>, vector<16xi32>,
    %swap3A_225 = vector.shape_cast %swap3A_224 : vector<16xi32> to vector<16xi32>
    %swap3A_226 = vector.shape_cast %add3A_222 : vector<16xi32> to vector<16xi32>
    tpu.vector_store %arg12[%swap3A_223], %swap3A_226 {strides = array<i32>} : memref<128xi32, #tpu.memory_space<vmem>>, vector<16xi32>,
    %get3A_227 = arith.constant 112 : index
    %get3A_228 = tpu.vector_load %arg8[%get3A_227] {strides = array<i32>} : memref<512xi32, #tpu.memory_space<vmem>>, vector<16xi32>,
    %get3A_229 = vector.shape_cast %get3A_228 : vector<16xi32> to vector<16xi32>
    %mul3A_230 = arith.constant 4 : i32
    %mul3A_231 = vector.broadcast %mul3A_230 : i32 to vector<16xi32>
    %mul3A_232 = arith.muli %get3A_229, %mul3A_231 : vector<16xi32>
    %get3A_233 = arith.constant 112 : index
    %get3A_234 = tpu.vector_load %arg9[%get3A_233] {strides = array<i32>} : memref<512xi32, #tpu.memory_space<vmem>>, vector<16xi32>,
    %get3A_235 = vector.shape_cast %get3A_234 : vector<16xi32> to vector<16xi32>
    %add3A_236 = arith.addi %mul3A_232, %get3A_235 : vector<16xi32>
    %mul3A_237 = arith.constant 2 : i32
    %mul3A_238 = vector.broadcast %mul3A_237 : i32 to vector<16xi32>
    %mul3A_239 = arith.muli %add3A_236, %mul3A_238 : vector<16xi32>
    %get3A_240 = arith.constant 112 : index
    %get3A_241 = tpu.vector_load %arg10[%get3A_240] {strides = array<i32>} : memref<512xi32, #tpu.memory_space<vmem>>, vector<16xi32>,
    %get3A_242 = vector.shape_cast %get3A_241 : vector<16xi32> to vector<16xi32>
    %add3A_243 = arith.addi %mul3A_239, %get3A_242 : vector<16xi32>
    %mul3A_244 = arith.constant 3 : i32
    %mul3A_245 = vector.broadcast %mul3A_244 : i32 to vector<16xi32>
    %mul3A_246 = arith.muli %add3A_243, %mul3A_245 : vector<16xi32>
    %get3A_247 = arith.constant 112 : index
    %get3A_248 = tpu.vector_load %arg11[%get3A_247] {strides = array<i32>} : memref<512xi32, #tpu.memory_space<vmem>>, vector<16xi32>,
    %get3A_249 = vector.shape_cast %get3A_248 : vector<16xi32> to vector<16xi32>
    %add3A_250 = arith.addi %mul3A_246, %get3A_249 : vector<16xi32>
    %add3A_251 = vector.broadcast %mul3A_18 : i32 to vector<16xi32>
    %add3A_252 = arith.addi %add3A_250, %add3A_251 : vector<16xi32>
    %swap3A_253 = arith.constant 112 : index
    %swap3A_254 = tpu.vector_load %arg12[%swap3A_253] {strides = array<i32>} : memref<128xi32, #tpu.memory_space<vmem>>, vector<16xi32>,
    %swap3A_255 = vector.shape_cast %swap3A_254 : vector<16xi32> to vector<16xi32>
    %swap3A_256 = vector.shape_cast %add3A_252 : vector<16xi32> to vector<16xi32>
    tpu.vector_store %arg12[%swap3A_253], %swap3A_256 {strides = array<i32>} : memref<128xi32, #tpu.memory_space<vmem>>, vector<16xi32>,
    %dma_start3A_257 = arith.constant 0 : i32
    %dma_start3A_258 = arith.constant 0 : i32
    %dma_start3A_259 = tpu.memref_slice %arg16[%dma_start3A_257, %dma_start3A_258] : memref<512x128xf32, #tpu.memory_space<vmem>> -> memref<128x128xf32, #tpu.memory_space<vmem>>
    %dma_start3A_260 = arith.constant 0 : i32
    %dma_start3A_261 = arith.constant 0 : i32
    %dma_start3A_262 = tpu.memref_slice %arg6[%dma_start3A_260, %dma_start3A_261] : memref<3072x128xf32, #tpu.memory_space<hbm>> -> memref<3072x128xf32, #tpu.memory_space<hbm>>
    tpu.enqueue_indirect_dma source(%dma_start3A_262 : memref<3072x128xf32, #tpu.memory_space<hbm>>) target(%dma_start3A_259 : memref<128x128xf32, #tpu.memory_space<vmem>>) offsets(%arg12 : memref<128xi32, #tpu.memory_space<vmem>>) semaphore(%arg18 : memref<!tpu.dma_semaphore, #tpu.memory_space<semaphore_mem>>)
    %get3A_263 = arith.constant 128 : index
    %get3A_264 = tpu.vector_load %arg8[%get3A_263] {strides = array<i32>} : memref<512xi32, #tpu.memory_space<vmem>>, vector<16xi32>,
    %get3A_265 = vector.shape_cast %get3A_264 : vector<16xi32> to vector<16xi32>
    %mul3A_266 = arith.constant 4 : i32
    %mul3A_267 = vector.broadcast %mul3A_266 : i32 to vector<16xi32>
    %mul3A_268 = arith.muli %get3A_265, %mul3A_267 : vector<16xi32>
    %get3A_269 = arith.constant 128 : index
    %get3A_270 = tpu.vector_load %arg9[%get3A_269] {strides = array<i32>} : memref<512xi32, #tpu.memory_space<vmem>>, vector<16xi32>,
    %get3A_271 = vector.shape_cast %get3A_270 : vector<16xi32> to vector<16xi32>
    %add3A_272 = arith.addi %mul3A_268, %get3A_271 : vector<16xi32>
    %mul3A_273 = arith.constant 2 : i32
    %mul3A_274 = vector.broadcast %mul3A_273 : i32 to vector<16xi32>
    %mul3A_275 = arith.muli %add3A_272, %mul3A_274 : vector<16xi32>
    %get3A_276 = arith.constant 128 : index
    %get3A_277 = tpu.vector_load %arg10[%get3A_276] {strides = array<i32>} : memref<512xi32, #tpu.memory_space<vmem>>, vector<16xi32>,
    %get3A_278 = vector.shape_cast %get3A_277 : vector<16xi32> to vector<16xi32>
    %add3A_279 = arith.addi %mul3A_275, %get3A_278 : vector<16xi32>
    %mul3A_280 = arith.constant 3 : i32
    %mul3A_281 = vector.broadcast %mul3A_280 : i32 to vector<16xi32>
    %mul3A_282 = arith.muli %add3A_279, %mul3A_281 : vector<16xi32>
    %get3A_283 = arith.constant 128 : index
    %get3A_284 = tpu.vector_load %arg11[%get3A_283] {strides = array<i32>} : memref<512xi32, #tpu.memory_space<vmem>>, vector<16xi32>,
    %get3A_285 = vector.shape_cast %get3A_284 : vector<16xi32> to vector<16xi32>
    %add3A_286 = arith.addi %mul3A_282, %get3A_285 : vector<16xi32>
    %add3A_287 = vector.broadcast %mul3A_18 : i32 to vector<16xi32>
    %add3A_288 = arith.addi %add3A_286, %add3A_287 : vector<16xi32>
    %swap3A_289 = arith.constant 0 : index
    %swap3A_290 = tpu.vector_load %arg13[%swap3A_289] {strides = array<i32>} : memref<128xi32, #tpu.memory_space<vmem>>, vector<16xi32>,
    %swap3A_291 = vector.shape_cast %swap3A_290 : vector<16xi32> to vector<16xi32>
    %swap3A_292 = vector.shape_cast %add3A_288 : vector<16xi32> to vector<16xi32>
    tpu.vector_store %arg13[%swap3A_289], %swap3A_292 {strides = array<i32>} : memref<128xi32, #tpu.memory_space<vmem>>, vector<16xi32>,
    %get3A_293 = arith.constant 144 : index
    %get3A_294 = tpu.vector_load %arg8[%get3A_293] {strides = array<i32>} : memref<512xi32, #tpu.memory_space<vmem>>, vector<16xi32>,
    %get3A_295 = vector.shape_cast %get3A_294 : vector<16xi32> to vector<16xi32>
    %mul3A_296 = arith.constant 4 : i32
    %mul3A_297 = vector.broadcast %mul3A_296 : i32 to vector<16xi32>
    %mul3A_298 = arith.muli %get3A_295, %mul3A_297 : vector<16xi32>
    %get3A_299 = arith.constant 144 : index
    %get3A_300 = tpu.vector_load %arg9[%get3A_299] {strides = array<i32>} : memref<512xi32, #tpu.memory_space<vmem>>, vector<16xi32>,
    %get3A_301 = vector.shape_cast %get3A_300 : vector<16xi32> to vector<16xi32>
    %add3A_302 = arith.addi %mul3A_298, %get3A_301 : vector<16xi32>
    %mul3A_303 = arith.constant 2 : i32
    %mul3A_304 = vector.broadcast %mul3A_303 : i32 to vector<16xi32>
    %mul3A_305 = arith.muli %add3A_302, %mul3A_304 : vector<16xi32>
    %get3A_306 = arith.constant 144 : index
    %get3A_307 = tpu.vector_load %arg10[%get3A_306] {strides = array<i32>} : memref<512xi32, #tpu.memory_space<vmem>>, vector<16xi32>,
    %get3A_308 = vector.shape_cast %get3A_307 : vector<16xi32> to vector<16xi32>
    %add3A_309 = arith.addi %mul3A_305, %get3A_308 : vector<16xi32>
    %mul3A_310 = arith.constant 3 : i32
    %mul3A_311 = vector.broadcast %mul3A_310 : i32 to vector<16xi32>
    %mul3A_312 = arith.muli %add3A_309, %mul3A_311 : vector<16xi32>
    %get3A_313 = arith.constant 144 : index
    %get3A_314 = tpu.vector_load %arg11[%get3A_313] {strides = array<i32>} : memref<512xi32, #tpu.memory_space<vmem>>, vector<16xi32>,
    %get3A_315 = vector.shape_cast %get3A_314 : vector<16xi32> to vector<16xi32>
    %add3A_316 = arith.addi %mul3A_312, %get3A_315 : vector<16xi32>
    %add3A_317 = vector.broadcast %mul3A_18 : i32 to vector<16xi32>
    %add3A_318 = arith.addi %add3A_316, %add3A_317 : vector<16xi32>
    %swap3A_319 = arith.constant 16 : index
    %swap3A_320 = tpu.vector_load %arg13[%swap3A_319] {strides = array<i32>} : memref<128xi32, #tpu.memory_space<vmem>>, vector<16xi32>,
    %swap3A_321 = vector.shape_cast %swap3A_320 : vector<16xi32> to vector<16xi32>
    %swap3A_322 = vector.shape_cast %add3A_318 : vector<16xi32> to vector<16xi32>
    tpu.vector_store %arg13[%swap3A_319], %swap3A_322 {strides = array<i32>} : memref<128xi32, #tpu.memory_space<vmem>>, vector<16xi32>,
    %get3A_323 = arith.constant 160 : index
    %get3A_324 = tpu.vector_load %arg8[%get3A_323] {strides = array<i32>} : memref<512xi32, #tpu.memory_space<vmem>>, vector<16xi32>,
    %get3A_325 = vector.shape_cast %get3A_324 : vector<16xi32> to vector<16xi32>
    %mul3A_326 = arith.constant 4 : i32
    %mul3A_327 = vector.broadcast %mul3A_326 : i32 to vector<16xi32>
    %mul3A_328 = arith.muli %get3A_325, %mul3A_327 : vector<16xi32>
    %get3A_329 = arith.constant 160 : index
    %get3A_330 = tpu.vector_load %arg9[%get3A_329] {strides = array<i32>} : memref<512xi32, #tpu.memory_space<vmem>>, vector<16xi32>,
    %get3A_331 = vector.shape_cast %get3A_330 : vector<16xi32> to vector<16xi32>
    %add3A_332 = arith.addi %mul3A_328, %get3A_331 : vector<16xi32>
    %mul3A_333 = arith.constant 2 : i32
    %mul3A_334 = vector.broadcast %mul3A_333 : i32 to vector<16xi32>
    %mul3A_335 = arith.muli %add3A_332, %mul3A_334 : vector<16xi32>
    %get3A_336 = arith.constant 160 : index
    %get3A_337 = tpu.vector_load %arg10[%get3A_336] {strides = array<i32>} : memref<512xi32, #tpu.memory_space<vmem>>, vector<16xi32>,
    %get3A_338 = vector.shape_cast %get3A_337 : vector<16xi32> to vector<16xi32>
    %add3A_339 = arith.addi %mul3A_335, %get3A_338 : vector<16xi32>
    %mul3A_340 = arith.constant 3 : i32
    %mul3A_341 = vector.broadcast %mul3A_340 : i32 to vector<16xi32>
    %mul3A_342 = arith.muli %add3A_339, %mul3A_341 : vector<16xi32>
    %get3A_343 = arith.constant 160 : index
    %get3A_344 = tpu.vector_load %arg11[%get3A_343] {strides = array<i32>} : memref<512xi32, #tpu.memory_space<vmem>>, vector<16xi32>,
    %get3A_345 = vector.shape_cast %get3A_344 : vector<16xi32> to vector<16xi32>
    %add3A_346 = arith.addi %mul3A_342, %get3A_345 : vector<16xi32>
    %add3A_347 = vector.broadcast %mul3A_18 : i32 to vector<16xi32>
    %add3A_348 = arith.addi %add3A_346, %add3A_347 : vector<16xi32>
    %swap3A_349 = arith.constant 32 : index
    %swap3A_350 = tpu.vector_load %arg13[%swap3A_349] {strides = array<i32>} : memref<128xi32, #tpu.memory_space<vmem>>, vector<16xi32>,
    %swap3A_351 = vector.shape_cast %swap3A_350 : vector<16xi32> to vector<16xi32>
    %swap3A_352 = vector.shape_cast %add3A_348 : vector<16xi32> to vector<16xi32>
    tpu.vector_store %arg13[%swap3A_349], %swap3A_352 {strides = array<i32>} : memref<128xi32, #tpu.memory_space<vmem>>, vector<16xi32>,
    %get3A_353 = arith.constant 176 : index
    %get3A_354 = tpu.vector_load %arg8[%get3A_353] {strides = array<i32>} : memref<512xi32, #tpu.memory_space<vmem>>, vector<16xi32>,
    %get3A_355 = vector.shape_cast %get3A_354 : vector<16xi32> to vector<16xi32>
    %mul3A_356 = arith.constant 4 : i32
    %mul3A_357 = vector.broadcast %mul3A_356 : i32 to vector<16xi32>
    %mul3A_358 = arith.muli %get3A_355, %mul3A_357 : vector<16xi32>
    %get3A_359 = arith.constant 176 : index
    %get3A_360 = tpu.vector_load %arg9[%get3A_359] {strides = array<i32>} : memref<512xi32, #tpu.memory_space<vmem>>, vector<16xi32>,
    %get3A_361 = vector.shape_cast %get3A_360 : vector<16xi32> to vector<16xi32>
    %add3A_362 = arith.addi %mul3A_358, %get3A_361 : vector<16xi32>
    %mul3A_363 = arith.constant 2 : i32
    %mul3A_364 = vector.broadcast %mul3A_363 : i32 to vector<16xi32>
    %mul3A_365 = arith.muli %add3A_362, %mul3A_364 : vector<16xi32>
    %get3A_366 = arith.constant 176 : index
    %get3A_367 = tpu.vector_load %arg10[%get3A_366] {strides = array<i32>} : memref<512xi32, #tpu.memory_space<vmem>>, vector<16xi32>,
    %get3A_368 = vector.shape_cast %get3A_367 : vector<16xi32> to vector<16xi32>
    %add3A_369 = arith.addi %mul3A_365, %get3A_368 : vector<16xi32>
    %mul3A_370 = arith.constant 3 : i32
    %mul3A_371 = vector.broadcast %mul3A_370 : i32 to vector<16xi32>
    %mul3A_372 = arith.muli %add3A_369, %mul3A_371 : vector<16xi32>
    %get3A_373 = arith.constant 176 : index
    %get3A_374 = tpu.vector_load %arg11[%get3A_373] {strides = array<i32>} : memref<512xi32, #tpu.memory_space<vmem>>, vector<16xi32>,
    %get3A_375 = vector.shape_cast %get3A_374 : vector<16xi32> to vector<16xi32>
    %add3A_376 = arith.addi %mul3A_372, %get3A_375 : vector<16xi32>
    %add3A_377 = vector.broadcast %mul3A_18 : i32 to vector<16xi32>
    %add3A_378 = arith.addi %add3A_376, %add3A_377 : vector<16xi32>
    %swap3A_379 = arith.constant 48 : index
    %swap3A_380 = tpu.vector_load %arg13[%swap3A_379] {strides = array<i32>} : memref<128xi32, #tpu.memory_space<vmem>>, vector<16xi32>,
    %swap3A_381 = vector.shape_cast %swap3A_380 : vector<16xi32> to vector<16xi32>
    %swap3A_382 = vector.shape_cast %add3A_378 : vector<16xi32> to vector<16xi32>
    tpu.vector_store %arg13[%swap3A_379], %swap3A_382 {strides = array<i32>} : memref<128xi32, #tpu.memory_space<vmem>>, vector<16xi32>,
    %get3A_383 = arith.constant 192 : index
    %get3A_384 = tpu.vector_load %arg8[%get3A_383] {strides = array<i32>} : memref<512xi32, #tpu.memory_space<vmem>>, vector<16xi32>,
    %get3A_385 = vector.shape_cast %get3A_384 : vector<16xi32> to vector<16xi32>
    %mul3A_386 = arith.constant 4 : i32
    %mul3A_387 = vector.broadcast %mul3A_386 : i32 to vector<16xi32>
    %mul3A_388 = arith.muli %get3A_385, %mul3A_387 : vector<16xi32>
    %get3A_389 = arith.constant 192 : index
    %get3A_390 = tpu.vector_load %arg9[%get3A_389] {strides = array<i32>} : memref<512xi32, #tpu.memory_space<vmem>>, vector<16xi32>,
    %get3A_391 = vector.shape_cast %get3A_390 : vector<16xi32> to vector<16xi32>
    %add3A_392 = arith.addi %mul3A_388, %get3A_391 : vector<16xi32>
    %mul3A_393 = arith.constant 2 : i32
    %mul3A_394 = vector.broadcast %mul3A_393 : i32 to vector<16xi32>
    %mul3A_395 = arith.muli %add3A_392, %mul3A_394 : vector<16xi32>
    %get3A_396 = arith.constant 192 : index
    %get3A_397 = tpu.vector_load %arg10[%get3A_396] {strides = array<i32>} : memref<512xi32, #tpu.memory_space<vmem>>, vector<16xi32>,
    %get3A_398 = vector.shape_cast %get3A_397 : vector<16xi32> to vector<16xi32>
    %add3A_399 = arith.addi %mul3A_395, %get3A_398 : vector<16xi32>
    %mul3A_400 = arith.constant 3 : i32
    %mul3A_401 = vector.broadcast %mul3A_400 : i32 to vector<16xi32>
    %mul3A_402 = arith.muli %add3A_399, %mul3A_401 : vector<16xi32>
    %get3A_403 = arith.constant 192 : index
    %get3A_404 = tpu.vector_load %arg11[%get3A_403] {strides = array<i32>} : memref<512xi32, #tpu.memory_space<vmem>>, vector<16xi32>,
    %get3A_405 = vector.shape_cast %get3A_404 : vector<16xi32> to vector<16xi32>
    %add3A_406 = arith.addi %mul3A_402, %get3A_405 : vector<16xi32>
    %add3A_407 = vector.broadcast %mul3A_18 : i32 to vector<16xi32>
    %add3A_408 = arith.addi %add3A_406, %add3A_407 : vector<16xi32>
    %swap3A_409 = arith.constant 64 : index
    %swap3A_410 = tpu.vector_load %arg13[%swap3A_409] {strides = array<i32>} : memref<128xi32, #tpu.memory_space<vmem>>, vector<16xi32>,
    %swap3A_411 = vector.shape_cast %swap3A_410 : vector<16xi32> to vector<16xi32>
    %swap3A_412 = vector.shape_cast %add3A_408 : vector<16xi32> to vector<16xi32>
    tpu.vector_store %arg13[%swap3A_409], %swap3A_412 {strides = array<i32>} : memref<128xi32, #tpu.memory_space<vmem>>, vector<16xi32>,
    %get3A_413 = arith.constant 208 : index
    %get3A_414 = tpu.vector_load %arg8[%get3A_413] {strides = array<i32>} : memref<512xi32, #tpu.memory_space<vmem>>, vector<16xi32>,
    %get3A_415 = vector.shape_cast %get3A_414 : vector<16xi32> to vector<16xi32>
    %mul3A_416 = arith.constant 4 : i32
    %mul3A_417 = vector.broadcast %mul3A_416 : i32 to vector<16xi32>
    %mul3A_418 = arith.muli %get3A_415, %mul3A_417 : vector<16xi32>
    %get3A_419 = arith.constant 208 : index
    %get3A_420 = tpu.vector_load %arg9[%get3A_419] {strides = array<i32>} : memref<512xi32, #tpu.memory_space<vmem>>, vector<16xi32>,
    %get3A_421 = vector.shape_cast %get3A_420 : vector<16xi32> to vector<16xi32>
    %add3A_422 = arith.addi %mul3A_418, %get3A_421 : vector<16xi32>
    %mul3A_423 = arith.constant 2 : i32
    %mul3A_424 = vector.broadcast %mul3A_423 : i32 to vector<16xi32>
    %mul3A_425 = arith.muli %add3A_422, %mul3A_424 : vector<16xi32>
    %get3A_426 = arith.constant 208 : index
    %get3A_427 = tpu.vector_load %arg10[%get3A_426] {strides = array<i32>} : memref<512xi32, #tpu.memory_space<vmem>>, vector<16xi32>,
    %get3A_428 = vector.shape_cast %get3A_427 : vector<16xi32> to vector<16xi32>
    %add3A_429 = arith.addi %mul3A_425, %get3A_428 : vector<16xi32>
    %mul3A_430 = arith.constant 3 : i32
    %mul3A_431 = vector.broadcast %mul3A_430 : i32 to vector<16xi32>
    %mul3A_432 = arith.muli %add3A_429, %mul3A_431 : vector<16xi32>
    %get3A_433 = arith.constant 208 : index
    %get3A_434 = tpu.vector_load %arg11[%get3A_433] {strides = array<i32>} : memref<512xi32, #tpu.memory_space<vmem>>, vector<16xi32>,
    %get3A_435 = vector.shape_cast %get3A_434 : vector<16xi32> to vector<16xi32>
    %add3A_436 = arith.addi %mul3A_432, %get3A_435 : vector<16xi32>
    %add3A_437 = vector.broadcast %mul3A_18 : i32 to vector<16xi32>
    %add3A_438 = arith.addi %add3A_436, %add3A_437 : vector<16xi32>
    %swap3A_439 = arith.constant 80 : index
    %swap3A_440 = tpu.vector_load %arg13[%swap3A_439] {strides = array<i32>} : memref<128xi32, #tpu.memory_space<vmem>>, vector<16xi32>,
    %swap3A_441 = vector.shape_cast %swap3A_440 : vector<16xi32> to vector<16xi32>
    %swap3A_442 = vector.shape_cast %add3A_438 : vector<16xi32> to vector<16xi32>
    tpu.vector_store %arg13[%swap3A_439], %swap3A_442 {strides = array<i32>} : memref<128xi32, #tpu.memory_space<vmem>>, vector<16xi32>,
    %get3A_443 = arith.constant 224 : index
    %get3A_444 = tpu.vector_load %arg8[%get3A_443] {strides = array<i32>} : memref<512xi32, #tpu.memory_space<vmem>>, vector<16xi32>,
    %get3A_445 = vector.shape_cast %get3A_444 : vector<16xi32> to vector<16xi32>
    %mul3A_446 = arith.constant 4 : i32
    %mul3A_447 = vector.broadcast %mul3A_446 : i32 to vector<16xi32>
    %mul3A_448 = arith.muli %get3A_445, %mul3A_447 : vector<16xi32>
    %get3A_449 = arith.constant 224 : index
    %get3A_450 = tpu.vector_load %arg9[%get3A_449] {strides = array<i32>} : memref<512xi32, #tpu.memory_space<vmem>>, vector<16xi32>,
    %get3A_451 = vector.shape_cast %get3A_450 : vector<16xi32> to vector<16xi32>
    %add3A_452 = arith.addi %mul3A_448, %get3A_451 : vector<16xi32>
    %mul3A_453 = arith.constant 2 : i32
    %mul3A_454 = vector.broadcast %mul3A_453 : i32 to vector<16xi32>
    %mul3A_455 = arith.muli %add3A_452, %mul3A_454 : vector<16xi32>
    %get3A_456 = arith.constant 224 : index
    %get3A_457 = tpu.vector_load %arg10[%get3A_456] {strides = array<i32>} : memref<512xi32, #tpu.memory_space<vmem>>, vector<16xi32>,
    %get3A_458 = vector.shape_cast %get3A_457 : vector<16xi32> to vector<16xi32>
    %add3A_459 = arith.addi %mul3A_455, %get3A_458 : vector<16xi32>
    %mul3A_460 = arith.constant 3 : i32
    %mul3A_461 = vector.broadcast %mul3A_460 : i32 to vector<16xi32>
    %mul3A_462 = arith.muli %add3A_459, %mul3A_461 : vector<16xi32>
    %get3A_463 = arith.constant 224 : index
    %get3A_464 = tpu.vector_load %arg11[%get3A_463] {strides = array<i32>} : memref<512xi32, #tpu.memory_space<vmem>>, vector<16xi32>,
    %get3A_465 = vector.shape_cast %get3A_464 : vector<16xi32> to vector<16xi32>
    %add3A_466 = arith.addi %mul3A_462, %get3A_465 : vector<16xi32>
    %add3A_467 = vector.broadcast %mul3A_18 : i32 to vector<16xi32>
    %add3A_468 = arith.addi %add3A_466, %add3A_467 : vector<16xi32>
    %swap3A_469 = arith.constant 96 : index
    %swap3A_470 = tpu.vector_load %arg13[%swap3A_469] {strides = array<i32>} : memref<128xi32, #tpu.memory_space<vmem>>, vector<16xi32>,
    %swap3A_471 = vector.shape_cast %swap3A_470 : vector<16xi32> to vector<16xi32>
    %swap3A_472 = vector.shape_cast %add3A_468 : vector<16xi32> to vector<16xi32>
    tpu.vector_store %arg13[%swap3A_469], %swap3A_472 {strides = array<i32>} : memref<128xi32, #tpu.memory_space<vmem>>, vector<16xi32>,
    %get3A_473 = arith.constant 240 : index
    %get3A_474 = tpu.vector_load %arg8[%get3A_473] {strides = array<i32>} : memref<512xi32, #tpu.memory_space<vmem>>, vector<16xi32>,
    %get3A_475 = vector.shape_cast %get3A_474 : vector<16xi32> to vector<16xi32>
    %mul3A_476 = arith.constant 4 : i32
    %mul3A_477 = vector.broadcast %mul3A_476 : i32 to vector<16xi32>
    %mul3A_478 = arith.muli %get3A_475, %mul3A_477 : vector<16xi32>
    %get3A_479 = arith.constant 240 : index
    %get3A_480 = tpu.vector_load %arg9[%get3A_479] {strides = array<i32>} : memref<512xi32, #tpu.memory_space<vmem>>, vector<16xi32>,
    %get3A_481 = vector.shape_cast %get3A_480 : vector<16xi32> to vector<16xi32>
    %add3A_482 = arith.addi %mul3A_478, %get3A_481 : vector<16xi32>
    %mul3A_483 = arith.constant 2 : i32
    %mul3A_484 = vector.broadcast %mul3A_483 : i32 to vector<16xi32>
    %mul3A_485 = arith.muli %add3A_482, %mul3A_484 : vector<16xi32>
    %get3A_486 = arith.constant 240 : index
    %get3A_487 = tpu.vector_load %arg10[%get3A_486] {strides = array<i32>} : memref<512xi32, #tpu.memory_space<vmem>>, vector<16xi32>,
    %get3A_488 = vector.shape_cast %get3A_487 : vector<16xi32> to vector<16xi32>
    %add3A_489 = arith.addi %mul3A_485, %get3A_488 : vector<16xi32>
    %mul3A_490 = arith.constant 3 : i32
    %mul3A_491 = vector.broadcast %mul3A_490 : i32 to vector<16xi32>
    %mul3A_492 = arith.muli %add3A_489, %mul3A_491 : vector<16xi32>
    %get3A_493 = arith.constant 240 : index
    %get3A_494 = tpu.vector_load %arg11[%get3A_493] {strides = array<i32>} : memref<512xi32, #tpu.memory_space<vmem>>, vector<16xi32>,
    %get3A_495 = vector.shape_cast %get3A_494 : vector<16xi32> to vector<16xi32>
    %add3A_496 = arith.addi %mul3A_492, %get3A_495 : vector<16xi32>
    %add3A_497 = vector.broadcast %mul3A_18 : i32 to vector<16xi32>
    %add3A_498 = arith.addi %add3A_496, %add3A_497 : vector<16xi32>
    %swap3A_499 = arith.constant 112 : index
    %swap3A_500 = tpu.vector_load %arg13[%swap3A_499] {strides = array<i32>} : memref<128xi32, #tpu.memory_space<vmem>>, vector<16xi32>,
    %swap3A_501 = vector.shape_cast %swap3A_500 : vector<16xi32> to vector<16xi32>
    %swap3A_502 = vector.shape_cast %add3A_498 : vector<16xi32> to vector<16xi32>
    tpu.vector_store %arg13[%swap3A_499], %swap3A_502 {strides = array<i32>} : memref<128xi32, #tpu.memory_space<vmem>>, vector<16xi32>,
    %dma_start3A_503 = arith.constant 128 : i32
    %dma_start3A_504 = arith.constant 0 : i32
    %dma_start3A_505 = tpu.memref_slice %arg16[%dma_start3A_503, %dma_start3A_504] : memref<512x128xf32, #tpu.memory_space<vmem>> -> memref<128x128xf32, #tpu.memory_space<vmem>>
    %dma_start3A_506 = arith.constant 0 : i32
    %dma_start3A_507 = arith.constant 0 : i32
    %dma_start3A_508 = tpu.memref_slice %arg6[%dma_start3A_506, %dma_start3A_507] : memref<3072x128xf32, #tpu.memory_space<hbm>> -> memref<3072x128xf32, #tpu.memory_space<hbm>>
    tpu.enqueue_indirect_dma source(%dma_start3A_508 : memref<3072x128xf32, #tpu.memory_space<hbm>>) target(%dma_start3A_505 : memref<128x128xf32, #tpu.memory_space<vmem>>) offsets(%arg13 : memref<128xi32, #tpu.memory_space<vmem>>) semaphore(%arg18 : memref<!tpu.dma_semaphore, #tpu.memory_space<semaphore_mem>>)
    %get3A_509 = arith.constant 256 : index
    %get3A_510 = tpu.vector_load %arg8[%get3A_509] {strides = array<i32>} : memref<512xi32, #tpu.memory_space<vmem>>, vector<16xi32>,
    %get3A_511 = vector.shape_cast %get3A_510 : vector<16xi32> to vector<16xi32>
    %mul3A_512 = arith.constant 4 : i32
    %mul3A_513 = vector.broadcast %mul3A_512 : i32 to vector<16xi32>
    %mul3A_514 = arith.muli %get3A_511, %mul3A_513 : vector<16xi32>
    %get3A_515 = arith.constant 256 : index
    %get3A_516 = tpu.vector_load %arg9[%get3A_515] {strides = array<i32>} : memref<512xi32, #tpu.memory_space<vmem>>, vector<16xi32>,
    %get3A_517 = vector.shape_cast %get3A_516 : vector<16xi32> to vector<16xi32>
    %add3A_518 = arith.addi %mul3A_514, %get3A_517 : vector<16xi32>
    %mul3A_519 = arith.constant 2 : i32
    %mul3A_520 = vector.broadcast %mul3A_519 : i32 to vector<16xi32>
    %mul3A_521 = arith.muli %add3A_518, %mul3A_520 : vector<16xi32>
    %get3A_522 = arith.constant 256 : index
    %get3A_523 = tpu.vector_load %arg10[%get3A_522] {strides = array<i32>} : memref<512xi32, #tpu.memory_space<vmem>>, vector<16xi32>,
    %get3A_524 = vector.shape_cast %get3A_523 : vector<16xi32> to vector<16xi32>
    %add3A_525 = arith.addi %mul3A_521, %get3A_524 : vector<16xi32>
    %mul3A_526 = arith.constant 3 : i32
    %mul3A_527 = vector.broadcast %mul3A_526 : i32 to vector<16xi32>
    %mul3A_528 = arith.muli %add3A_525, %mul3A_527 : vector<16xi32>
    %get3A_529 = arith.constant 256 : index
    %get3A_530 = tpu.vector_load %arg11[%get3A_529] {strides = array<i32>} : memref<512xi32, #tpu.memory_space<vmem>>, vector<16xi32>,
    %get3A_531 = vector.shape_cast %get3A_530 : vector<16xi32> to vector<16xi32>
    %add3A_532 = arith.addi %mul3A_528, %get3A_531 : vector<16xi32>
    %add3A_533 = vector.broadcast %mul3A_18 : i32 to vector<16xi32>
    %add3A_534 = arith.addi %add3A_532, %add3A_533 : vector<16xi32>
    %swap3A_535 = arith.constant 0 : index
    %swap3A_536 = tpu.vector_load %arg14[%swap3A_535] {strides = array<i32>} : memref<128xi32, #tpu.memory_space<vmem>>, vector<16xi32>,
    %swap3A_537 = vector.shape_cast %swap3A_536 : vector<16xi32> to vector<16xi32>
    %swap3A_538 = vector.shape_cast %add3A_534 : vector<16xi32> to vector<16xi32>
    tpu.vector_store %arg14[%swap3A_535], %swap3A_538 {strides = array<i32>} : memref<128xi32, #tpu.memory_space<vmem>>, vector<16xi32>,
    %get3A_539 = arith.constant 272 : index
    %get3A_540 = tpu.vector_load %arg8[%get3A_539] {strides = array<i32>} : memref<512xi32, #tpu.memory_space<vmem>>, vector<16xi32>,
    %get3A_541 = vector.shape_cast %get3A_540 : vector<16xi32> to vector<16xi32>
    %mul3A_542 = arith.constant 4 : i32
    %mul3A_543 = vector.broadcast %mul3A_542 : i32 to vector<16xi32>
    %mul3A_544 = arith.muli %get3A_541, %mul3A_543 : vector<16xi32>
    %get3A_545 = arith.constant 272 : index
    %get3A_546 = tpu.vector_load %arg9[%get3A_545] {strides = array<i32>} : memref<512xi32, #tpu.memory_space<vmem>>, vector<16xi32>,
    %get3A_547 = vector.shape_cast %get3A_546 : vector<16xi32> to vector<16xi32>
    %add3A_548 = arith.addi %mul3A_544, %get3A_547 : vector<16xi32>
    %mul3A_549 = arith.constant 2 : i32
    %mul3A_550 = vector.broadcast %mul3A_549 : i32 to vector<16xi32>
    %mul3A_551 = arith.muli %add3A_548, %mul3A_550 : vector<16xi32>
    %get3A_552 = arith.constant 272 : index
    %get3A_553 = tpu.vector_load %arg10[%get3A_552] {strides = array<i32>} : memref<512xi32, #tpu.memory_space<vmem>>, vector<16xi32>,
    %get3A_554 = vector.shape_cast %get3A_553 : vector<16xi32> to vector<16xi32>
    %add3A_555 = arith.addi %mul3A_551, %get3A_554 : vector<16xi32>
    %mul3A_556 = arith.constant 3 : i32
    %mul3A_557 = vector.broadcast %mul3A_556 : i32 to vector<16xi32>
    %mul3A_558 = arith.muli %add3A_555, %mul3A_557 : vector<16xi32>
    %get3A_559 = arith.constant 272 : index
    %get3A_560 = tpu.vector_load %arg11[%get3A_559] {strides = array<i32>} : memref<512xi32, #tpu.memory_space<vmem>>, vector<16xi32>,
    %get3A_561 = vector.shape_cast %get3A_560 : vector<16xi32> to vector<16xi32>
    %add3A_562 = arith.addi %mul3A_558, %get3A_561 : vector<16xi32>
    %add3A_563 = vector.broadcast %mul3A_18 : i32 to vector<16xi32>
    %add3A_564 = arith.addi %add3A_562, %add3A_563 : vector<16xi32>
    %swap3A_565 = arith.constant 16 : index
    %swap3A_566 = tpu.vector_load %arg14[%swap3A_565] {strides = array<i32>} : memref<128xi32, #tpu.memory_space<vmem>>, vector<16xi32>,
    %swap3A_567 = vector.shape_cast %swap3A_566 : vector<16xi32> to vector<16xi32>
    %swap3A_568 = vector.shape_cast %add3A_564 : vector<16xi32> to vector<16xi32>
    tpu.vector_store %arg14[%swap3A_565], %swap3A_568 {strides = array<i32>} : memref<128xi32, #tpu.memory_space<vmem>>, vector<16xi32>,
    %get3A_569 = arith.constant 288 : index
    %get3A_570 = tpu.vector_load %arg8[%get3A_569] {strides = array<i32>} : memref<512xi32, #tpu.memory_space<vmem>>, vector<16xi32>,
    %get3A_571 = vector.shape_cast %get3A_570 : vector<16xi32> to vector<16xi32>
    %mul3A_572 = arith.constant 4 : i32
    %mul3A_573 = vector.broadcast %mul3A_572 : i32 to vector<16xi32>
    %mul3A_574 = arith.muli %get3A_571, %mul3A_573 : vector<16xi32>
    %get3A_575 = arith.constant 288 : index
    %get3A_576 = tpu.vector_load %arg9[%get3A_575] {strides = array<i32>} : memref<512xi32, #tpu.memory_space<vmem>>, vector<16xi32>,
    %get3A_577 = vector.shape_cast %get3A_576 : vector<16xi32> to vector<16xi32>
    %add3A_578 = arith.addi %mul3A_574, %get3A_577 : vector<16xi32>
    %mul3A_579 = arith.constant 2 : i32
    %mul3A_580 = vector.broadcast %mul3A_579 : i32 to vector<16xi32>
    %mul3A_581 = arith.muli %add3A_578, %mul3A_580 : vector<16xi32>
    %get3A_582 = arith.constant 288 : index
    %get3A_583 = tpu.vector_load %arg10[%get3A_582] {strides = array<i32>} : memref<512xi32, #tpu.memory_space<vmem>>, vector<16xi32>,
    %get3A_584 = vector.shape_cast %get3A_583 : vector<16xi32> to vector<16xi32>
    %add3A_585 = arith.addi %mul3A_581, %get3A_584 : vector<16xi32>
    %mul3A_586 = arith.constant 3 : i32
    %mul3A_587 = vector.broadcast %mul3A_586 : i32 to vector<16xi32>
    %mul3A_588 = arith.muli %add3A_585, %mul3A_587 : vector<16xi32>
    %get3A_589 = arith.constant 288 : index
    %get3A_590 = tpu.vector_load %arg11[%get3A_589] {strides = array<i32>} : memref<512xi32, #tpu.memory_space<vmem>>, vector<16xi32>,
    %get3A_591 = vector.shape_cast %get3A_590 : vector<16xi32> to vector<16xi32>
    %add3A_592 = arith.addi %mul3A_588, %get3A_591 : vector<16xi32>
    %add3A_593 = vector.broadcast %mul3A_18 : i32 to vector<16xi32>
    %add3A_594 = arith.addi %add3A_592, %add3A_593 : vector<16xi32>
    %swap3A_595 = arith.constant 32 : index
    %swap3A_596 = tpu.vector_load %arg14[%swap3A_595] {strides = array<i32>} : memref<128xi32, #tpu.memory_space<vmem>>, vector<16xi32>,
    %swap3A_597 = vector.shape_cast %swap3A_596 : vector<16xi32> to vector<16xi32>
    %swap3A_598 = vector.shape_cast %add3A_594 : vector<16xi32> to vector<16xi32>
    tpu.vector_store %arg14[%swap3A_595], %swap3A_598 {strides = array<i32>} : memref<128xi32, #tpu.memory_space<vmem>>, vector<16xi32>,
    %get3A_599 = arith.constant 304 : index
    %get3A_600 = tpu.vector_load %arg8[%get3A_599] {strides = array<i32>} : memref<512xi32, #tpu.memory_space<vmem>>, vector<16xi32>,
    %get3A_601 = vector.shape_cast %get3A_600 : vector<16xi32> to vector<16xi32>
    %mul3A_602 = arith.constant 4 : i32
    %mul3A_603 = vector.broadcast %mul3A_602 : i32 to vector<16xi32>
    %mul3A_604 = arith.muli %get3A_601, %mul3A_603 : vector<16xi32>
    %get3A_605 = arith.constant 304 : index
    %get3A_606 = tpu.vector_load %arg9[%get3A_605] {strides = array<i32>} : memref<512xi32, #tpu.memory_space<vmem>>, vector<16xi32>,
    %get3A_607 = vector.shape_cast %get3A_606 : vector<16xi32> to vector<16xi32>
    %add3A_608 = arith.addi %mul3A_604, %get3A_607 : vector<16xi32>
    %mul3A_609 = arith.constant 2 : i32
    %mul3A_610 = vector.broadcast %mul3A_609 : i32 to vector<16xi32>
    %mul3A_611 = arith.muli %add3A_608, %mul3A_610 : vector<16xi32>
    %get3A_612 = arith.constant 304 : index
    %get3A_613 = tpu.vector_load %arg10[%get3A_612] {strides = array<i32>} : memref<512xi32, #tpu.memory_space<vmem>>, vector<16xi32>,
    %get3A_614 = vector.shape_cast %get3A_613 : vector<16xi32> to vector<16xi32>
    %add3A_615 = arith.addi %mul3A_611, %get3A_614 : vector<16xi32>
    %mul3A_616 = arith.constant 3 : i32
    %mul3A_617 = vector.broadcast %mul3A_616 : i32 to vector<16xi32>
    %mul3A_618 = arith.muli %add3A_615, %mul3A_617 : vector<16xi32>
    %get3A_619 = arith.constant 304 : index
    %get3A_620 = tpu.vector_load %arg11[%get3A_619] {strides = array<i32>} : memref<512xi32, #tpu.memory_space<vmem>>, vector<16xi32>,
    %get3A_621 = vector.shape_cast %get3A_620 : vector<16xi32> to vector<16xi32>
    %add3A_622 = arith.addi %mul3A_618, %get3A_621 : vector<16xi32>
    %add3A_623 = vector.broadcast %mul3A_18 : i32 to vector<16xi32>
    %add3A_624 = arith.addi %add3A_622, %add3A_623 : vector<16xi32>
    %swap3A_625 = arith.constant 48 : index
    %swap3A_626 = tpu.vector_load %arg14[%swap3A_625] {strides = array<i32>} : memref<128xi32, #tpu.memory_space<vmem>>, vector<16xi32>,
    %swap3A_627 = vector.shape_cast %swap3A_626 : vector<16xi32> to vector<16xi32>
    %swap3A_628 = vector.shape_cast %add3A_624 : vector<16xi32> to vector<16xi32>
    tpu.vector_store %arg14[%swap3A_625], %swap3A_628 {strides = array<i32>} : memref<128xi32, #tpu.memory_space<vmem>>, vector<16xi32>,
    %get3A_629 = arith.constant 320 : index
    %get3A_630 = tpu.vector_load %arg8[%get3A_629] {strides = array<i32>} : memref<512xi32, #tpu.memory_space<vmem>>, vector<16xi32>,
    %get3A_631 = vector.shape_cast %get3A_630 : vector<16xi32> to vector<16xi32>
    %mul3A_632 = arith.constant 4 : i32
    %mul3A_633 = vector.broadcast %mul3A_632 : i32 to vector<16xi32>
    %mul3A_634 = arith.muli %get3A_631, %mul3A_633 : vector<16xi32>
    %get3A_635 = arith.constant 320 : index
    %get3A_636 = tpu.vector_load %arg9[%get3A_635] {strides = array<i32>} : memref<512xi32, #tpu.memory_space<vmem>>, vector<16xi32>,
    %get3A_637 = vector.shape_cast %get3A_636 : vector<16xi32> to vector<16xi32>
    %add3A_638 = arith.addi %mul3A_634, %get3A_637 : vector<16xi32>
    %mul3A_639 = arith.constant 2 : i32
    %mul3A_640 = vector.broadcast %mul3A_639 : i32 to vector<16xi32>
    %mul3A_641 = arith.muli %add3A_638, %mul3A_640 : vector<16xi32>
    %get3A_642 = arith.constant 320 : index
    %get3A_643 = tpu.vector_load %arg10[%get3A_642] {strides = array<i32>} : memref<512xi32, #tpu.memory_space<vmem>>, vector<16xi32>,
    %get3A_644 = vector.shape_cast %get3A_643 : vector<16xi32> to vector<16xi32>
    %add3A_645 = arith.addi %mul3A_641, %get3A_644 : vector<16xi32>
    %mul3A_646 = arith.constant 3 : i32
    %mul3A_647 = vector.broadcast %mul3A_646 : i32 to vector<16xi32>
    %mul3A_648 = arith.muli %add3A_645, %mul3A_647 : vector<16xi32>
    %get3A_649 = arith.constant 320 : index
    %get3A_650 = tpu.vector_load %arg11[%get3A_649] {strides = array<i32>} : memref<512xi32, #tpu.memory_space<vmem>>, vector<16xi32>,
    %get3A_651 = vector.shape_cast %get3A_650 : vector<16xi32> to vector<16xi32>
    %add3A_652 = arith.addi %mul3A_648, %get3A_651 : vector<16xi32>
    %add3A_653 = vector.broadcast %mul3A_18 : i32 to vector<16xi32>
    %add3A_654 = arith.addi %add3A_652, %add3A_653 : vector<16xi32>
    %swap3A_655 = arith.constant 64 : index
    %swap3A_656 = tpu.vector_load %arg14[%swap3A_655] {strides = array<i32>} : memref<128xi32, #tpu.memory_space<vmem>>, vector<16xi32>,
    %swap3A_657 = vector.shape_cast %swap3A_656 : vector<16xi32> to vector<16xi32>
    %swap3A_658 = vector.shape_cast %add3A_654 : vector<16xi32> to vector<16xi32>
    tpu.vector_store %arg14[%swap3A_655], %swap3A_658 {strides = array<i32>} : memref<128xi32, #tpu.memory_space<vmem>>, vector<16xi32>,
    %get3A_659 = arith.constant 336 : index
    %get3A_660 = tpu.vector_load %arg8[%get3A_659] {strides = array<i32>} : memref<512xi32, #tpu.memory_space<vmem>>, vector<16xi32>,
    %get3A_661 = vector.shape_cast %get3A_660 : vector<16xi32> to vector<16xi32>
    %mul3A_662 = arith.constant 4 : i32
    %mul3A_663 = vector.broadcast %mul3A_662 : i32 to vector<16xi32>
    %mul3A_664 = arith.muli %get3A_661, %mul3A_663 : vector<16xi32>
    %get3A_665 = arith.constant 336 : index
    %get3A_666 = tpu.vector_load %arg9[%get3A_665] {strides = array<i32>} : memref<512xi32, #tpu.memory_space<vmem>>, vector<16xi32>,
    %get3A_667 = vector.shape_cast %get3A_666 : vector<16xi32> to vector<16xi32>
    %add3A_668 = arith.addi %mul3A_664, %get3A_667 : vector<16xi32>
    %mul3A_669 = arith.constant 2 : i32
    %mul3A_670 = vector.broadcast %mul3A_669 : i32 to vector<16xi32>
    %mul3A_671 = arith.muli %add3A_668, %mul3A_670 : vector<16xi32>
    %get3A_672 = arith.constant 336 : index
    %get3A_673 = tpu.vector_load %arg10[%get3A_672] {strides = array<i32>} : memref<512xi32, #tpu.memory_space<vmem>>, vector<16xi32>,
    %get3A_674 = vector.shape_cast %get3A_673 : vector<16xi32> to vector<16xi32>
    %add3A_675 = arith.addi %mul3A_671, %get3A_674 : vector<16xi32>
    %mul3A_676 = arith.constant 3 : i32
    %mul3A_677 = vector.broadcast %mul3A_676 : i32 to vector<16xi32>
    %mul3A_678 = arith.muli %add3A_675, %mul3A_677 : vector<16xi32>
    %get3A_679 = arith.constant 336 : index
    %get3A_680 = tpu.vector_load %arg11[%get3A_679] {strides = array<i32>} : memref<512xi32, #tpu.memory_space<vmem>>, vector<16xi32>,
    %get3A_681 = vector.shape_cast %get3A_680 : vector<16xi32> to vector<16xi32>
    %add3A_682 = arith.addi %mul3A_678, %get3A_681 : vector<16xi32>
    %add3A_683 = vector.broadcast %mul3A_18 : i32 to vector<16xi32>
    %add3A_684 = arith.addi %add3A_682, %add3A_683 : vector<16xi32>
    %swap3A_685 = arith.constant 80 : index
    %swap3A_686 = tpu.vector_load %arg14[%swap3A_685] {strides = array<i32>} : memref<128xi32, #tpu.memory_space<vmem>>, vector<16xi32>,
    %swap3A_687 = vector.shape_cast %swap3A_686 : vector<16xi32> to vector<16xi32>
    %swap3A_688 = vector.shape_cast %add3A_684 : vector<16xi32> to vector<16xi32>
    tpu.vector_store %arg14[%swap3A_685], %swap3A_688 {strides = array<i32>} : memref<128xi32, #tpu.memory_space<vmem>>, vector<16xi32>,
    %get3A_689 = arith.constant 352 : index
    %get3A_690 = tpu.vector_load %arg8[%get3A_689] {strides = array<i32>} : memref<512xi32, #tpu.memory_space<vmem>>, vector<16xi32>,
    %get3A_691 = vector.shape_cast %get3A_690 : vector<16xi32> to vector<16xi32>
    %mul3A_692 = arith.constant 4 : i32
    %mul3A_693 = vector.broadcast %mul3A_692 : i32 to vector<16xi32>
    %mul3A_694 = arith.muli %get3A_691, %mul3A_693 : vector<16xi32>
    %get3A_695 = arith.constant 352 : index
    %get3A_696 = tpu.vector_load %arg9[%get3A_695] {strides = array<i32>} : memref<512xi32, #tpu.memory_space<vmem>>, vector<16xi32>,
    %get3A_697 = vector.shape_cast %get3A_696 : vector<16xi32> to vector<16xi32>
    %add3A_698 = arith.addi %mul3A_694, %get3A_697 : vector<16xi32>
    %mul3A_699 = arith.constant 2 : i32
    %mul3A_700 = vector.broadcast %mul3A_699 : i32 to vector<16xi32>
    %mul3A_701 = arith.muli %add3A_698, %mul3A_700 : vector<16xi32>
    %get3A_702 = arith.constant 352 : index
    %get3A_703 = tpu.vector_load %arg10[%get3A_702] {strides = array<i32>} : memref<512xi32, #tpu.memory_space<vmem>>, vector<16xi32>,
    %get3A_704 = vector.shape_cast %get3A_703 : vector<16xi32> to vector<16xi32>
    %add3A_705 = arith.addi %mul3A_701, %get3A_704 : vector<16xi32>
    %mul3A_706 = arith.constant 3 : i32
    %mul3A_707 = vector.broadcast %mul3A_706 : i32 to vector<16xi32>
    %mul3A_708 = arith.muli %add3A_705, %mul3A_707 : vector<16xi32>
    %get3A_709 = arith.constant 352 : index
    %get3A_710 = tpu.vector_load %arg11[%get3A_709] {strides = array<i32>} : memref<512xi32, #tpu.memory_space<vmem>>, vector<16xi32>,
    %get3A_711 = vector.shape_cast %get3A_710 : vector<16xi32> to vector<16xi32>
    %add3A_712 = arith.addi %mul3A_708, %get3A_711 : vector<16xi32>
    %add3A_713 = vector.broadcast %mul3A_18 : i32 to vector<16xi32>
    %add3A_714 = arith.addi %add3A_712, %add3A_713 : vector<16xi32>
    %swap3A_715 = arith.constant 96 : index
    %swap3A_716 = tpu.vector_load %arg14[%swap3A_715] {strides = array<i32>} : memref<128xi32, #tpu.memory_space<vmem>>, vector<16xi32>,
    %swap3A_717 = vector.shape_cast %swap3A_716 : vector<16xi32> to vector<16xi32>
    %swap3A_718 = vector.shape_cast %add3A_714 : vector<16xi32> to vector<16xi32>
    tpu.vector_store %arg14[%swap3A_715], %swap3A_718 {strides = array<i32>} : memref<128xi32, #tpu.memory_space<vmem>>, vector<16xi32>,
    %get3A_719 = arith.constant 368 : index
    %get3A_720 = tpu.vector_load %arg8[%get3A_719] {strides = array<i32>} : memref<512xi32, #tpu.memory_space<vmem>>, vector<16xi32>,
    %get3A_721 = vector.shape_cast %get3A_720 : vector<16xi32> to vector<16xi32>
    %mul3A_722 = arith.constant 4 : i32
    %mul3A_723 = vector.broadcast %mul3A_722 : i32 to vector<16xi32>
    %mul3A_724 = arith.muli %get3A_721, %mul3A_723 : vector<16xi32>
    %get3A_725 = arith.constant 368 : index
    %get3A_726 = tpu.vector_load %arg9[%get3A_725] {strides = array<i32>} : memref<512xi32, #tpu.memory_space<vmem>>, vector<16xi32>,
    %get3A_727 = vector.shape_cast %get3A_726 : vector<16xi32> to vector<16xi32>
    %add3A_728 = arith.addi %mul3A_724, %get3A_727 : vector<16xi32>
    %mul3A_729 = arith.constant 2 : i32
    %mul3A_730 = vector.broadcast %mul3A_729 : i32 to vector<16xi32>
    %mul3A_731 = arith.muli %add3A_728, %mul3A_730 : vector<16xi32>
    %get3A_732 = arith.constant 368 : index
    %get3A_733 = tpu.vector_load %arg10[%get3A_732] {strides = array<i32>} : memref<512xi32, #tpu.memory_space<vmem>>, vector<16xi32>,
    %get3A_734 = vector.shape_cast %get3A_733 : vector<16xi32> to vector<16xi32>
    %add3A_735 = arith.addi %mul3A_731, %get3A_734 : vector<16xi32>
    %mul3A_736 = arith.constant 3 : i32
    %mul3A_737 = vector.broadcast %mul3A_736 : i32 to vector<16xi32>
    %mul3A_738 = arith.muli %add3A_735, %mul3A_737 : vector<16xi32>
    %get3A_739 = arith.constant 368 : index
    %get3A_740 = tpu.vector_load %arg11[%get3A_739] {strides = array<i32>} : memref<512xi32, #tpu.memory_space<vmem>>, vector<16xi32>,
    %get3A_741 = vector.shape_cast %get3A_740 : vector<16xi32> to vector<16xi32>
    %add3A_742 = arith.addi %mul3A_738, %get3A_741 : vector<16xi32>
    %add3A_743 = vector.broadcast %mul3A_18 : i32 to vector<16xi32>
    %add3A_744 = arith.addi %add3A_742, %add3A_743 : vector<16xi32>
    %swap3A_745 = arith.constant 112 : index
    %swap3A_746 = tpu.vector_load %arg14[%swap3A_745] {strides = array<i32>} : memref<128xi32, #tpu.memory_space<vmem>>, vector<16xi32>,
    %swap3A_747 = vector.shape_cast %swap3A_746 : vector<16xi32> to vector<16xi32>
    %swap3A_748 = vector.shape_cast %add3A_744 : vector<16xi32> to vector<16xi32>
    tpu.vector_store %arg14[%swap3A_745], %swap3A_748 {strides = array<i32>} : memref<128xi32, #tpu.memory_space<vmem>>, vector<16xi32>,
    %dma_start3A_749 = arith.constant 256 : i32
    %dma_start3A_750 = arith.constant 0 : i32
    %dma_start3A_751 = tpu.memref_slice %arg16[%dma_start3A_749, %dma_start3A_750] : memref<512x128xf32, #tpu.memory_space<vmem>> -> memref<128x128xf32, #tpu.memory_space<vmem>>
    %dma_start3A_752 = arith.constant 0 : i32
    %dma_start3A_753 = arith.constant 0 : i32
    %dma_start3A_754 = tpu.memref_slice %arg6[%dma_start3A_752, %dma_start3A_753] : memref<3072x128xf32, #tpu.memory_space<hbm>> -> memref<3072x128xf32, #tpu.memory_space<hbm>>
    tpu.enqueue_indirect_dma source(%dma_start3A_754 : memref<3072x128xf32, #tpu.memory_space<hbm>>) target(%dma_start3A_751 : memref<128x128xf32, #tpu.memory_space<vmem>>) offsets(%arg14 : memref<128xi32, #tpu.memory_space<vmem>>) semaphore(%arg18 : memref<!tpu.dma_semaphore, #tpu.memory_space<semaphore_mem>>)
    %get3A_755 = arith.constant 384 : index
    %get3A_756 = tpu.vector_load %arg8[%get3A_755] {strides = array<i32>} : memref<512xi32, #tpu.memory_space<vmem>>, vector<16xi32>,
    %get3A_757 = vector.shape_cast %get3A_756 : vector<16xi32> to vector<16xi32>
    %mul3A_758 = arith.constant 4 : i32
    %mul3A_759 = vector.broadcast %mul3A_758 : i32 to vector<16xi32>
    %mul3A_760 = arith.muli %get3A_757, %mul3A_759 : vector<16xi32>
    %get3A_761 = arith.constant 384 : index
    %get3A_762 = tpu.vector_load %arg9[%get3A_761] {strides = array<i32>} : memref<512xi32, #tpu.memory_space<vmem>>, vector<16xi32>,
    %get3A_763 = vector.shape_cast %get3A_762 : vector<16xi32> to vector<16xi32>
    %add3A_764 = arith.addi %mul3A_760, %get3A_763 : vector<16xi32>
    %mul3A_765 = arith.constant 2 : i32
    %mul3A_766 = vector.broadcast %mul3A_765 : i32 to vector<16xi32>
    %mul3A_767 = arith.muli %add3A_764, %mul3A_766 : vector<16xi32>
    %get3A_768 = arith.constant 384 : index
    %get3A_769 = tpu.vector_load %arg10[%get3A_768] {strides = array<i32>} : memref<512xi32, #tpu.memory_space<vmem>>, vector<16xi32>,
    %get3A_770 = vector.shape_cast %get3A_769 : vector<16xi32> to vector<16xi32>
    %add3A_771 = arith.addi %mul3A_767, %get3A_770 : vector<16xi32>
    %mul3A_772 = arith.constant 3 : i32
    %mul3A_773 = vector.broadcast %mul3A_772 : i32 to vector<16xi32>
    %mul3A_774 = arith.muli %add3A_771, %mul3A_773 : vector<16xi32>
    %get3A_775 = arith.constant 384 : index
    %get3A_776 = tpu.vector_load %arg11[%get3A_775] {strides = array<i32>} : memref<512xi32, #tpu.memory_space<vmem>>, vector<16xi32>,
    %get3A_777 = vector.shape_cast %get3A_776 : vector<16xi32> to vector<16xi32>
    %add3A_778 = arith.addi %mul3A_774, %get3A_777 : vector<16xi32>
    %add3A_779 = vector.broadcast %mul3A_18 : i32 to vector<16xi32>
    %add3A_780 = arith.addi %add3A_778, %add3A_779 : vector<16xi32>
    %swap3A_781 = arith.constant 0 : index
    %swap3A_782 = tpu.vector_load %arg15[%swap3A_781] {strides = array<i32>} : memref<128xi32, #tpu.memory_space<vmem>>, vector<16xi32>,
    %swap3A_783 = vector.shape_cast %swap3A_782 : vector<16xi32> to vector<16xi32>
    %swap3A_784 = vector.shape_cast %add3A_780 : vector<16xi32> to vector<16xi32>
    tpu.vector_store %arg15[%swap3A_781], %swap3A_784 {strides = array<i32>} : memref<128xi32, #tpu.memory_space<vmem>>, vector<16xi32>,
    %get3A_785 = arith.constant 400 : index
    %get3A_786 = tpu.vector_load %arg8[%get3A_785] {strides = array<i32>} : memref<512xi32, #tpu.memory_space<vmem>>, vector<16xi32>,
    %get3A_787 = vector.shape_cast %get3A_786 : vector<16xi32> to vector<16xi32>
    %mul3A_788 = arith.constant 4 : i32
    %mul3A_789 = vector.broadcast %mul3A_788 : i32 to vector<16xi32>
    %mul3A_790 = arith.muli %get3A_787, %mul3A_789 : vector<16xi32>
    %get3A_791 = arith.constant 400 : index
    %get3A_792 = tpu.vector_load %arg9[%get3A_791] {strides = array<i32>} : memref<512xi32, #tpu.memory_space<vmem>>, vector<16xi32>,
    %get3A_793 = vector.shape_cast %get3A_792 : vector<16xi32> to vector<16xi32>
    %add3A_794 = arith.addi %mul3A_790, %get3A_793 : vector<16xi32>
    %mul3A_795 = arith.constant 2 : i32
    %mul3A_796 = vector.broadcast %mul3A_795 : i32 to vector<16xi32>
    %mul3A_797 = arith.muli %add3A_794, %mul3A_796 : vector<16xi32>
    %get3A_798 = arith.constant 400 : index
    %get3A_799 = tpu.vector_load %arg10[%get3A_798] {strides = array<i32>} : memref<512xi32, #tpu.memory_space<vmem>>, vector<16xi32>,
    %get3A_800 = vector.shape_cast %get3A_799 : vector<16xi32> to vector<16xi32>
    %add3A_801 = arith.addi %mul3A_797, %get3A_800 : vector<16xi32>
    %mul3A_802 = arith.constant 3 : i32
    %mul3A_803 = vector.broadcast %mul3A_802 : i32 to vector<16xi32>
    %mul3A_804 = arith.muli %add3A_801, %mul3A_803 : vector<16xi32>
    %get3A_805 = arith.constant 400 : index
    %get3A_806 = tpu.vector_load %arg11[%get3A_805] {strides = array<i32>} : memref<512xi32, #tpu.memory_space<vmem>>, vector<16xi32>,
    %get3A_807 = vector.shape_cast %get3A_806 : vector<16xi32> to vector<16xi32>
    %add3A_808 = arith.addi %mul3A_804, %get3A_807 : vector<16xi32>
    %add3A_809 = vector.broadcast %mul3A_18 : i32 to vector<16xi32>
    %add3A_810 = arith.addi %add3A_808, %add3A_809 : vector<16xi32>
    %swap3A_811 = arith.constant 16 : index
    %swap3A_812 = tpu.vector_load %arg15[%swap3A_811] {strides = array<i32>} : memref<128xi32, #tpu.memory_space<vmem>>, vector<16xi32>,
    %swap3A_813 = vector.shape_cast %swap3A_812 : vector<16xi32> to vector<16xi32>
    %swap3A_814 = vector.shape_cast %add3A_810 : vector<16xi32> to vector<16xi32>
    tpu.vector_store %arg15[%swap3A_811], %swap3A_814 {strides = array<i32>} : memref<128xi32, #tpu.memory_space<vmem>>, vector<16xi32>,
    %get3A_815 = arith.constant 416 : index
    %get3A_816 = tpu.vector_load %arg8[%get3A_815] {strides = array<i32>} : memref<512xi32, #tpu.memory_space<vmem>>, vector<16xi32>,
    %get3A_817 = vector.shape_cast %get3A_816 : vector<16xi32> to vector<16xi32>
    %mul3A_818 = arith.constant 4 : i32
    %mul3A_819 = vector.broadcast %mul3A_818 : i32 to vector<16xi32>
    %mul3A_820 = arith.muli %get3A_817, %mul3A_819 : vector<16xi32>
    %get3A_821 = arith.constant 416 : index
    %get3A_822 = tpu.vector_load %arg9[%get3A_821] {strides = array<i32>} : memref<512xi32, #tpu.memory_space<vmem>>, vector<16xi32>,
    %get3A_823 = vector.shape_cast %get3A_822 : vector<16xi32> to vector<16xi32>
    %add3A_824 = arith.addi %mul3A_820, %get3A_823 : vector<16xi32>
    %mul3A_825 = arith.constant 2 : i32
    %mul3A_826 = vector.broadcast %mul3A_825 : i32 to vector<16xi32>
    %mul3A_827 = arith.muli %add3A_824, %mul3A_826 : vector<16xi32>
    %get3A_828 = arith.constant 416 : index
    %get3A_829 = tpu.vector_load %arg10[%get3A_828] {strides = array<i32>} : memref<512xi32, #tpu.memory_space<vmem>>, vector<16xi32>,
    %get3A_830 = vector.shape_cast %get3A_829 : vector<16xi32> to vector<16xi32>
    %add3A_831 = arith.addi %mul3A_827, %get3A_830 : vector<16xi32>
    %mul3A_832 = arith.constant 3 : i32
    %mul3A_833 = vector.broadcast %mul3A_832 : i32 to vector<16xi32>
    %mul3A_834 = arith.muli %add3A_831, %mul3A_833 : vector<16xi32>
    %get3A_835 = arith.constant 416 : index
    %get3A_836 = tpu.vector_load %arg11[%get3A_835] {strides = array<i32>} : memref<512xi32, #tpu.memory_space<vmem>>, vector<16xi32>,
    %get3A_837 = vector.shape_cast %get3A_836 : vector<16xi32> to vector<16xi32>
    %add3A_838 = arith.addi %mul3A_834, %get3A_837 : vector<16xi32>
    %add3A_839 = vector.broadcast %mul3A_18 : i32 to vector<16xi32>
    %add3A_840 = arith.addi %add3A_838, %add3A_839 : vector<16xi32>
    %swap3A_841 = arith.constant 32 : index
    %swap3A_842 = tpu.vector_load %arg15[%swap3A_841] {strides = array<i32>} : memref<128xi32, #tpu.memory_space<vmem>>, vector<16xi32>,
    %swap3A_843 = vector.shape_cast %swap3A_842 : vector<16xi32> to vector<16xi32>
    %swap3A_844 = vector.shape_cast %add3A_840 : vector<16xi32> to vector<16xi32>
    tpu.vector_store %arg15[%swap3A_841], %swap3A_844 {strides = array<i32>} : memref<128xi32, #tpu.memory_space<vmem>>, vector<16xi32>,
    %get3A_845 = arith.constant 432 : index
    %get3A_846 = tpu.vector_load %arg8[%get3A_845] {strides = array<i32>} : memref<512xi32, #tpu.memory_space<vmem>>, vector<16xi32>,
    %get3A_847 = vector.shape_cast %get3A_846 : vector<16xi32> to vector<16xi32>
    %mul3A_848 = arith.constant 4 : i32
    %mul3A_849 = vector.broadcast %mul3A_848 : i32 to vector<16xi32>
    %mul3A_850 = arith.muli %get3A_847, %mul3A_849 : vector<16xi32>
    %get3A_851 = arith.constant 432 : index
    %get3A_852 = tpu.vector_load %arg9[%get3A_851] {strides = array<i32>} : memref<512xi32, #tpu.memory_space<vmem>>, vector<16xi32>,
    %get3A_853 = vector.shape_cast %get3A_852 : vector<16xi32> to vector<16xi32>
    %add3A_854 = arith.addi %mul3A_850, %get3A_853 : vector<16xi32>
    %mul3A_855 = arith.constant 2 : i32
    %mul3A_856 = vector.broadcast %mul3A_855 : i32 to vector<16xi32>
    %mul3A_857 = arith.muli %add3A_854, %mul3A_856 : vector<16xi32>
    %get3A_858 = arith.constant 432 : index
    %get3A_859 = tpu.vector_load %arg10[%get3A_858] {strides = array<i32>} : memref<512xi32, #tpu.memory_space<vmem>>, vector<16xi32>,
    %get3A_860 = vector.shape_cast %get3A_859 : vector<16xi32> to vector<16xi32>
    %add3A_861 = arith.addi %mul3A_857, %get3A_860 : vector<16xi32>
    %mul3A_862 = arith.constant 3 : i32
    %mul3A_863 = vector.broadcast %mul3A_862 : i32 to vector<16xi32>
    %mul3A_864 = arith.muli %add3A_861, %mul3A_863 : vector<16xi32>
    %get3A_865 = arith.constant 432 : index
    %get3A_866 = tpu.vector_load %arg11[%get3A_865] {strides = array<i32>} : memref<512xi32, #tpu.memory_space<vmem>>, vector<16xi32>,
    %get3A_867 = vector.shape_cast %get3A_866 : vector<16xi32> to vector<16xi32>
    %add3A_868 = arith.addi %mul3A_864, %get3A_867 : vector<16xi32>
    %add3A_869 = vector.broadcast %mul3A_18 : i32 to vector<16xi32>
    %add3A_870 = arith.addi %add3A_868, %add3A_869 : vector<16xi32>
    %swap3A_871 = arith.constant 48 : index
    %swap3A_872 = tpu.vector_load %arg15[%swap3A_871] {strides = array<i32>} : memref<128xi32, #tpu.memory_space<vmem>>, vector<16xi32>,
    %swap3A_873 = vector.shape_cast %swap3A_872 : vector<16xi32> to vector<16xi32>
    %swap3A_874 = vector.shape_cast %add3A_870 : vector<16xi32> to vector<16xi32>
    tpu.vector_store %arg15[%swap3A_871], %swap3A_874 {strides = array<i32>} : memref<128xi32, #tpu.memory_space<vmem>>, vector<16xi32>,
    %get3A_875 = arith.constant 448 : index
    %get3A_876 = tpu.vector_load %arg8[%get3A_875] {strides = array<i32>} : memref<512xi32, #tpu.memory_space<vmem>>, vector<16xi32>,
    %get3A_877 = vector.shape_cast %get3A_876 : vector<16xi32> to vector<16xi32>
    %mul3A_878 = arith.constant 4 : i32
    %mul3A_879 = vector.broadcast %mul3A_878 : i32 to vector<16xi32>
    %mul3A_880 = arith.muli %get3A_877, %mul3A_879 : vector<16xi32>
    %get3A_881 = arith.constant 448 : index
    %get3A_882 = tpu.vector_load %arg9[%get3A_881] {strides = array<i32>} : memref<512xi32, #tpu.memory_space<vmem>>, vector<16xi32>,
    %get3A_883 = vector.shape_cast %get3A_882 : vector<16xi32> to vector<16xi32>
    %add3A_884 = arith.addi %mul3A_880, %get3A_883 : vector<16xi32>
    %mul3A_885 = arith.constant 2 : i32
    %mul3A_886 = vector.broadcast %mul3A_885 : i32 to vector<16xi32>
    %mul3A_887 = arith.muli %add3A_884, %mul3A_886 : vector<16xi32>
    %get3A_888 = arith.constant 448 : index
    %get3A_889 = tpu.vector_load %arg10[%get3A_888] {strides = array<i32>} : memref<512xi32, #tpu.memory_space<vmem>>, vector<16xi32>,
    %get3A_890 = vector.shape_cast %get3A_889 : vector<16xi32> to vector<16xi32>
    %add3A_891 = arith.addi %mul3A_887, %get3A_890 : vector<16xi32>
    %mul3A_892 = arith.constant 3 : i32
    %mul3A_893 = vector.broadcast %mul3A_892 : i32 to vector<16xi32>
    %mul3A_894 = arith.muli %add3A_891, %mul3A_893 : vector<16xi32>
    %get3A_895 = arith.constant 448 : index
    %get3A_896 = tpu.vector_load %arg11[%get3A_895] {strides = array<i32>} : memref<512xi32, #tpu.memory_space<vmem>>, vector<16xi32>,
    %get3A_897 = vector.shape_cast %get3A_896 : vector<16xi32> to vector<16xi32>
    %add3A_898 = arith.addi %mul3A_894, %get3A_897 : vector<16xi32>
    %add3A_899 = vector.broadcast %mul3A_18 : i32 to vector<16xi32>
    %add3A_900 = arith.addi %add3A_898, %add3A_899 : vector<16xi32>
    %swap3A_901 = arith.constant 64 : index
    %swap3A_902 = tpu.vector_load %arg15[%swap3A_901] {strides = array<i32>} : memref<128xi32, #tpu.memory_space<vmem>>, vector<16xi32>,
    %swap3A_903 = vector.shape_cast %swap3A_902 : vector<16xi32> to vector<16xi32>
    %swap3A_904 = vector.shape_cast %add3A_900 : vector<16xi32> to vector<16xi32>
    tpu.vector_store %arg15[%swap3A_901], %swap3A_904 {strides = array<i32>} : memref<128xi32, #tpu.memory_space<vmem>>, vector<16xi32>,
    %get3A_905 = arith.constant 464 : index
    %get3A_906 = tpu.vector_load %arg8[%get3A_905] {strides = array<i32>} : memref<512xi32, #tpu.memory_space<vmem>>, vector<16xi32>,
    %get3A_907 = vector.shape_cast %get3A_906 : vector<16xi32> to vector<16xi32>
    %mul3A_908 = arith.constant 4 : i32
    %mul3A_909 = vector.broadcast %mul3A_908 : i32 to vector<16xi32>
    %mul3A_910 = arith.muli %get3A_907, %mul3A_909 : vector<16xi32>
    %get3A_911 = arith.constant 464 : index
    %get3A_912 = tpu.vector_load %arg9[%get3A_911] {strides = array<i32>} : memref<512xi32, #tpu.memory_space<vmem>>, vector<16xi32>,
    %get3A_913 = vector.shape_cast %get3A_912 : vector<16xi32> to vector<16xi32>
    %add3A_914 = arith.addi %mul3A_910, %get3A_913 : vector<16xi32>
    %mul3A_915 = arith.constant 2 : i32
    %mul3A_916 = vector.broadcast %mul3A_915 : i32 to vector<16xi32>
    %mul3A_917 = arith.muli %add3A_914, %mul3A_916 : vector<16xi32>
    %get3A_918 = arith.constant 464 : index
    %get3A_919 = tpu.vector_load %arg10[%get3A_918] {strides = array<i32>} : memref<512xi32, #tpu.memory_space<vmem>>, vector<16xi32>,
    %get3A_920 = vector.shape_cast %get3A_919 : vector<16xi32> to vector<16xi32>
    %add3A_921 = arith.addi %mul3A_917, %get3A_920 : vector<16xi32>
    %mul3A_922 = arith.constant 3 : i32
    %mul3A_923 = vector.broadcast %mul3A_922 : i32 to vector<16xi32>
    %mul3A_924 = arith.muli %add3A_921, %mul3A_923 : vector<16xi32>
    %get3A_925 = arith.constant 464 : index
    %get3A_926 = tpu.vector_load %arg11[%get3A_925] {strides = array<i32>} : memref<512xi32, #tpu.memory_space<vmem>>, vector<16xi32>,
    %get3A_927 = vector.shape_cast %get3A_926 : vector<16xi32> to vector<16xi32>
    %add3A_928 = arith.addi %mul3A_924, %get3A_927 : vector<16xi32>
    %add3A_929 = vector.broadcast %mul3A_18 : i32 to vector<16xi32>
    %add3A_930 = arith.addi %add3A_928, %add3A_929 : vector<16xi32>
    %swap3A_931 = arith.constant 80 : index
    %swap3A_932 = tpu.vector_load %arg15[%swap3A_931] {strides = array<i32>} : memref<128xi32, #tpu.memory_space<vmem>>, vector<16xi32>,
    %swap3A_933 = vector.shape_cast %swap3A_932 : vector<16xi32> to vector<16xi32>
    %swap3A_934 = vector.shape_cast %add3A_930 : vector<16xi32> to vector<16xi32>
    tpu.vector_store %arg15[%swap3A_931], %swap3A_934 {strides = array<i32>} : memref<128xi32, #tpu.memory_space<vmem>>, vector<16xi32>,
    %get3A_935 = arith.constant 480 : index
    %get3A_936 = tpu.vector_load %arg8[%get3A_935] {strides = array<i32>} : memref<512xi32, #tpu.memory_space<vmem>>, vector<16xi32>,
    %get3A_937 = vector.shape_cast %get3A_936 : vector<16xi32> to vector<16xi32>
    %mul3A_938 = arith.constant 4 : i32
    %mul3A_939 = vector.broadcast %mul3A_938 : i32 to vector<16xi32>
    %mul3A_940 = arith.muli %get3A_937, %mul3A_939 : vector<16xi32>
    %get3A_941 = arith.constant 480 : index
    %get3A_942 = tpu.vector_load %arg9[%get3A_941] {strides = array<i32>} : memref<512xi32, #tpu.memory_space<vmem>>, vector<16xi32>,
    %get3A_943 = vector.shape_cast %get3A_942 : vector<16xi32> to vector<16xi32>
    %add3A_944 = arith.addi %mul3A_940, %get3A_943 : vector<16xi32>
    %mul3A_945 = arith.constant 2 : i32
    %mul3A_946 = vector.broadcast %mul3A_945 : i32 to vector<16xi32>
    %mul3A_947 = arith.muli %add3A_944, %mul3A_946 : vector<16xi32>
    %get3A_948 = arith.constant 480 : index
    %get3A_949 = tpu.vector_load %arg10[%get3A_948] {strides = array<i32>} : memref<512xi32, #tpu.memory_space<vmem>>, vector<16xi32>,
    %get3A_950 = vector.shape_cast %get3A_949 : vector<16xi32> to vector<16xi32>
    %add3A_951 = arith.addi %mul3A_947, %get3A_950 : vector<16xi32>
    %mul3A_952 = arith.constant 3 : i32
    %mul3A_953 = vector.broadcast %mul3A_952 : i32 to vector<16xi32>
    %mul3A_954 = arith.muli %add3A_951, %mul3A_953 : vector<16xi32>
    %get3A_955 = arith.constant 480 : index
    %get3A_956 = tpu.vector_load %arg11[%get3A_955] {strides = array<i32>} : memref<512xi32, #tpu.memory_space<vmem>>, vector<16xi32>,
    %get3A_957 = vector.shape_cast %get3A_956 : vector<16xi32> to vector<16xi32>
    %add3A_958 = arith.addi %mul3A_954, %get3A_957 : vector<16xi32>
    %add3A_959 = vector.broadcast %mul3A_18 : i32 to vector<16xi32>
    %add3A_960 = arith.addi %add3A_958, %add3A_959 : vector<16xi32>
    %swap3A_961 = arith.constant 96 : index
    %swap3A_962 = tpu.vector_load %arg15[%swap3A_961] {strides = array<i32>} : memref<128xi32, #tpu.memory_space<vmem>>, vector<16xi32>,
    %swap3A_963 = vector.shape_cast %swap3A_962 : vector<16xi32> to vector<16xi32>
    %swap3A_964 = vector.shape_cast %add3A_960 : vector<16xi32> to vector<16xi32>
    tpu.vector_store %arg15[%swap3A_961], %swap3A_964 {strides = array<i32>} : memref<128xi32, #tpu.memory_space<vmem>>, vector<16xi32>,
    %get3A_965 = arith.constant 496 : index
    %get3A_966 = tpu.vector_load %arg8[%get3A_965] {strides = array<i32>} : memref<512xi32, #tpu.memory_space<vmem>>, vector<16xi32>,
    %get3A_967 = vector.shape_cast %get3A_966 : vector<16xi32> to vector<16xi32>
    %mul3A_968 = arith.constant 4 : i32
    %mul3A_969 = vector.broadcast %mul3A_968 : i32 to vector<16xi32>
    %mul3A_970 = arith.muli %get3A_967, %mul3A_969 : vector<16xi32>
    %get3A_971 = arith.constant 496 : index
    %get3A_972 = tpu.vector_load %arg9[%get3A_971] {strides = array<i32>} : memref<512xi32, #tpu.memory_space<vmem>>, vector<16xi32>,
    %get3A_973 = vector.shape_cast %get3A_972 : vector<16xi32> to vector<16xi32>
    %add3A_974 = arith.addi %mul3A_970, %get3A_973 : vector<16xi32>
    %mul3A_975 = arith.constant 2 : i32
    %mul3A_976 = vector.broadcast %mul3A_975 : i32 to vector<16xi32>
    %mul3A_977 = arith.muli %add3A_974, %mul3A_976 : vector<16xi32>
    %get3A_978 = arith.constant 496 : index
    %get3A_979 = tpu.vector_load %arg10[%get3A_978] {strides = array<i32>} : memref<512xi32, #tpu.memory_space<vmem>>, vector<16xi32>,
    %get3A_980 = vector.shape_cast %get3A_979 : vector<16xi32> to vector<16xi32>
    %add3A_981 = arith.addi %mul3A_977, %get3A_980 : vector<16xi32>
    %mul3A_982 = arith.constant 3 : i32
    %mul3A_983 = vector.broadcast %mul3A_982 : i32 to vector<16xi32>
    %mul3A_984 = arith.muli %add3A_981, %mul3A_983 : vector<16xi32>
    %get3A_985 = arith.constant 496 : index
    %get3A_986 = tpu.vector_load %arg11[%get3A_985] {strides = array<i32>} : memref<512xi32, #tpu.memory_space<vmem>>, vector<16xi32>,
    %get3A_987 = vector.shape_cast %get3A_986 : vector<16xi32> to vector<16xi32>
    %add3A_988 = arith.addi %mul3A_984, %get3A_987 : vector<16xi32>
    %add3A_989 = vector.broadcast %mul3A_18 : i32 to vector<16xi32>
    %add3A_990 = arith.addi %add3A_988, %add3A_989 : vector<16xi32>
    %swap3A_991 = arith.constant 112 : index
    %swap3A_992 = tpu.vector_load %arg15[%swap3A_991] {strides = array<i32>} : memref<128xi32, #tpu.memory_space<vmem>>, vector<16xi32>,
    %swap3A_993 = vector.shape_cast %swap3A_992 : vector<16xi32> to vector<16xi32>
    %swap3A_994 = vector.shape_cast %add3A_990 : vector<16xi32> to vector<16xi32>
    tpu.vector_store %arg15[%swap3A_991], %swap3A_994 {strides = array<i32>} : memref<128xi32, #tpu.memory_space<vmem>>, vector<16xi32>,
    %dma_start3A_995 = arith.constant 384 : i32
    %dma_start3A_996 = arith.constant 0 : i32
    %dma_start3A_997 = tpu.memref_slice %arg16[%dma_start3A_995, %dma_start3A_996] : memref<512x128xf32, #tpu.memory_space<vmem>> -> memref<128x128xf32, #tpu.memory_space<vmem>>
    %dma_start3A_998 = arith.constant 0 : i32
    %dma_start3A_999 = arith.constant 0 : i32
    %dma_start3A_1000 = tpu.memref_slice %arg6[%dma_start3A_998, %dma_start3A_999] : memref<3072x128xf32, #tpu.memory_space<hbm>> -> memref<3072x128xf32, #tpu.memory_space<hbm>>
    tpu.enqueue_indirect_dma source(%dma_start3A_1000 : memref<3072x128xf32, #tpu.memory_space<hbm>>) target(%dma_start3A_997 : memref<128x128xf32, #tpu.memory_space<vmem>>) offsets(%arg15 : memref<128xi32, #tpu.memory_space<vmem>>) semaphore(%arg18 : memref<!tpu.dma_semaphore, #tpu.memory_space<semaphore_mem>>)
    %dma_wait3A_1001 = arith.constant 0 : i32
    %dma_wait3A_1002 = arith.constant 0 : i32
    %dma_wait3A_1003 = tpu.memref_slice %arg16[%dma_wait3A_1001, %dma_wait3A_1002] : memref<512x128xf32, #tpu.memory_space<vmem>> -> memref<128x128xf32, #tpu.memory_space<vmem>>
    %dma_wait3A_1004 = arith.constant 0 : i32
    %dma_wait3A_1005 = arith.constant 0 : i32
    %dma_wait3A_1006 = tpu.memref_slice %arg6[%dma_wait3A_1004, %dma_wait3A_1005] : memref<3072x128xf32, #tpu.memory_space<hbm>> -> memref<3072x128xf32, #tpu.memory_space<hbm>>
    tpu.wait_indirect_dma semaphore(%arg18 : memref<!tpu.dma_semaphore, #tpu.memory_space<semaphore_mem>>) src(%dma_wait3A_1006 : memref<3072x128xf32, #tpu.memory_space<hbm>>) dst(%dma_wait3A_1003 : memref<128x128xf32, #tpu.memory_space<vmem>>)
    %add3A_1007 = arith.constant 0 : i32
    %add3A_1008 = arith.addi %mul3A_2, %add3A_1007 : i32
    %dma_start3A_1009 = arith.constant 0 : i32
    %dma_start3A_1010 = arith.constant 0 : i32
    %dma_start3A_1011 = tpu.memref_slice %arg16[%dma_start3A_1009, %dma_start3A_1010] : memref<512x128xf32, #tpu.memory_space<vmem>> -> memref<128x128xf32, #tpu.memory_space<vmem>>
    %dma_start3A_1012 = arith.constant 0 : i32
    %dma_start3A_1013 = tpu.memref_slice %arg7[%add3A_1008, %dma_start3A_1012] : memref<16384x128xf32, #tpu.memory_space<hbm>> -> memref<128x128xf32, #tpu.memory_space<hbm>>
    %dma_start3A_1014 = arith.constant 0 : i32
    %dma_start3A_1015 = tpu.memref_slice %arg7[%add3A_1008, %dma_start3A_1014] : memref<16384x128xf32, #tpu.memory_space<hbm>> -> memref<128x128xf32, #tpu.memory_space<hbm>>
    %dma_start3A_1016 = arith.constant 0 : i32
    %dma_start3A_1017 = arith.constant 0 : i32
    %dma_start3A_1018 = tpu.memref_slice %arg16[%dma_start3A_1016, %dma_start3A_1017] : memref<512x128xf32, #tpu.memory_space<vmem>> -> memref<128x128xf32, #tpu.memory_space<vmem>>
    tpu.enqueue_dma source(%dma_start3A_1018 : memref<128x128xf32, #tpu.memory_space<vmem>>) target(%dma_start3A_1015 : memref<128x128xf32, #tpu.memory_space<hbm>>) target_semaphore(%arg19 : memref<!tpu.dma_semaphore, #tpu.memory_space<semaphore_mem>>)
    %dma_wait3A_1019 = arith.constant 128 : i32
    %dma_wait3A_1020 = arith.constant 0 : i32
    %dma_wait3A_1021 = tpu.memref_slice %arg16[%dma_wait3A_1019, %dma_wait3A_1020] : memref<512x128xf32, #tpu.memory_space<vmem>> -> memref<128x128xf32, #tpu.memory_space<vmem>>
    %dma_wait3A_1022 = arith.constant 0 : i32
    %dma_wait3A_1023 = arith.constant 0 : i32
    %dma_wait3A_1024 = tpu.memref_slice %arg6[%dma_wait3A_1022, %dma_wait3A_1023] : memref<3072x128xf32, #tpu.memory_space<hbm>> -> memref<3072x128xf32, #tpu.memory_space<hbm>>
    tpu.wait_indirect_dma semaphore(%arg18 : memref<!tpu.dma_semaphore, #tpu.memory_space<semaphore_mem>>) src(%dma_wait3A_1024 : memref<3072x128xf32, #tpu.memory_space<hbm>>) dst(%dma_wait3A_1021 : memref<128x128xf32, #tpu.memory_space<vmem>>)
    %add3A_1025 = arith.constant 128 : i32
    %add3A_1026 = arith.addi %mul3A_2, %add3A_1025 : i32
    %dma_start3A_1027 = arith.constant 128 : i32
    %dma_start3A_1028 = arith.constant 0 : i32
    %dma_start3A_1029 = tpu.memref_slice %arg16[%dma_start3A_1027, %dma_start3A_1028] : memref<512x128xf32, #tpu.memory_space<vmem>> -> memref<128x128xf32, #tpu.memory_space<vmem>>
    %dma_start3A_1030 = arith.constant 0 : i32
    %dma_start3A_1031 = tpu.memref_slice %arg7[%add3A_1026, %dma_start3A_1030] : memref<16384x128xf32, #tpu.memory_space<hbm>> -> memref<128x128xf32, #tpu.memory_space<hbm>>
    %dma_start3A_1032 = arith.constant 0 : i32
    %dma_start3A_1033 = tpu.memref_slice %arg7[%add3A_1026, %dma_start3A_1032] : memref<16384x128xf32, #tpu.memory_space<hbm>> -> memref<128x128xf32, #tpu.memory_space<hbm>>
    %dma_start3A_1034 = arith.constant 128 : i32
    %dma_start3A_1035 = arith.constant 0 : i32
    %dma_start3A_1036 = tpu.memref_slice %arg16[%dma_start3A_1034, %dma_start3A_1035] : memref<512x128xf32, #tpu.memory_space<vmem>> -> memref<128x128xf32, #tpu.memory_space<vmem>>
    tpu.enqueue_dma source(%dma_start3A_1036 : memref<128x128xf32, #tpu.memory_space<vmem>>) target(%dma_start3A_1033 : memref<128x128xf32, #tpu.memory_space<hbm>>) target_semaphore(%arg19 : memref<!tpu.dma_semaphore, #tpu.memory_space<semaphore_mem>>)
    %dma_wait3A_1037 = arith.constant 256 : i32
    %dma_wait3A_1038 = arith.constant 0 : i32
    %dma_wait3A_1039 = tpu.memref_slice %arg16[%dma_wait3A_1037, %dma_wait3A_1038] : memref<512x128xf32, #tpu.memory_space<vmem>> -> memref<128x128xf32, #tpu.memory_space<vmem>>
    %dma_wait3A_1040 = arith.constant 0 : i32
    %dma_wait3A_1041 = arith.constant 0 : i32
    %dma_wait3A_1042 = tpu.memref_slice %arg6[%dma_wait3A_1040, %dma_wait3A_1041] : memref<3072x128xf32, #tpu.memory_space<hbm>> -> memref<3072x128xf32, #tpu.memory_space<hbm>>
    tpu.wait_indirect_dma semaphore(%arg18 : memref<!tpu.dma_semaphore, #tpu.memory_space<semaphore_mem>>) src(%dma_wait3A_1042 : memref<3072x128xf32, #tpu.memory_space<hbm>>) dst(%dma_wait3A_1039 : memref<128x128xf32, #tpu.memory_space<vmem>>)
    %add3A_1043 = arith.constant 256 : i32
    %add3A_1044 = arith.addi %mul3A_2, %add3A_1043 : i32
    %dma_start3A_1045 = arith.constant 256 : i32
    %dma_start3A_1046 = arith.constant 0 : i32
    %dma_start3A_1047 = tpu.memref_slice %arg16[%dma_start3A_1045, %dma_start3A_1046] : memref<512x128xf32, #tpu.memory_space<vmem>> -> memref<128x128xf32, #tpu.memory_space<vmem>>
    %dma_start3A_1048 = arith.constant 0 : i32
    %dma_start3A_1049 = tpu.memref_slice %arg7[%add3A_1044, %dma_start3A_1048] : memref<16384x128xf32, #tpu.memory_space<hbm>> -> memref<128x128xf32, #tpu.memory_space<hbm>>
    %dma_start3A_1050 = arith.constant 0 : i32
    %dma_start3A_1051 = tpu.memref_slice %arg7[%add3A_1044, %dma_start3A_1050] : memref<16384x128xf32, #tpu.memory_space<hbm>> -> memref<128x128xf32, #tpu.memory_space<hbm>>
    %dma_start3A_1052 = arith.constant 256 : i32
    %dma_start3A_1053 = arith.constant 0 : i32
    %dma_start3A_1054 = tpu.memref_slice %arg16[%dma_start3A_1052, %dma_start3A_1053] : memref<512x128xf32, #tpu.memory_space<vmem>> -> memref<128x128xf32, #tpu.memory_space<vmem>>
    tpu.enqueue_dma source(%dma_start3A_1054 : memref<128x128xf32, #tpu.memory_space<vmem>>) target(%dma_start3A_1051 : memref<128x128xf32, #tpu.memory_space<hbm>>) target_semaphore(%arg19 : memref<!tpu.dma_semaphore, #tpu.memory_space<semaphore_mem>>)
    %dma_wait3A_1055 = arith.constant 384 : i32
    %dma_wait3A_1056 = arith.constant 0 : i32
    %dma_wait3A_1057 = tpu.memref_slice %arg16[%dma_wait3A_1055, %dma_wait3A_1056] : memref<512x128xf32, #tpu.memory_space<vmem>> -> memref<128x128xf32, #tpu.memory_space<vmem>>
    %dma_wait3A_1058 = arith.constant 0 : i32
    %dma_wait3A_1059 = arith.constant 0 : i32
    %dma_wait3A_1060 = tpu.memref_slice %arg6[%dma_wait3A_1058, %dma_wait3A_1059] : memref<3072x128xf32, #tpu.memory_space<hbm>> -> memref<3072x128xf32, #tpu.memory_space<hbm>>
    tpu.wait_indirect_dma semaphore(%arg18 : memref<!tpu.dma_semaphore, #tpu.memory_space<semaphore_mem>>) src(%dma_wait3A_1060 : memref<3072x128xf32, #tpu.memory_space<hbm>>) dst(%dma_wait3A_1057 : memref<128x128xf32, #tpu.memory_space<vmem>>)
    %add3A_1061 = arith.constant 384 : i32
    %add3A_1062 = arith.addi %mul3A_2, %add3A_1061 : i32
    %dma_start3A_1063 = arith.constant 384 : i32
    %dma_start3A_1064 = arith.constant 0 : i32
    %dma_start3A_1065 = tpu.memref_slice %arg16[%dma_start3A_1063, %dma_start3A_1064] : memref<512x128xf32, #tpu.memory_space<vmem>> -> memref<128x128xf32, #tpu.memory_space<vmem>>
    %dma_start3A_1066 = arith.constant 0 : i32
    %dma_start3A_1067 = tpu.memref_slice %arg7[%add3A_1062, %dma_start3A_1066] : memref<16384x128xf32, #tpu.memory_space<hbm>> -> memref<128x128xf32, #tpu.memory_space<hbm>>
    %dma_start3A_1068 = arith.constant 0 : i32
    %dma_start3A_1069 = tpu.memref_slice %arg7[%add3A_1062, %dma_start3A_1068] : memref<16384x128xf32, #tpu.memory_space<hbm>> -> memref<128x128xf32, #tpu.memory_space<hbm>>
    %dma_start3A_1070 = arith.constant 384 : i32
    %dma_start3A_1071 = arith.constant 0 : i32
    %dma_start3A_1072 = tpu.memref_slice %arg16[%dma_start3A_1070, %dma_start3A_1071] : memref<512x128xf32, #tpu.memory_space<vmem>> -> memref<128x128xf32, #tpu.memory_space<vmem>>
    tpu.enqueue_dma source(%dma_start3A_1072 : memref<128x128xf32, #tpu.memory_space<vmem>>) target(%dma_start3A_1069 : memref<128x128xf32, #tpu.memory_space<hbm>>) target_semaphore(%arg19 : memref<!tpu.dma_semaphore, #tpu.memory_space<semaphore_mem>>)
    %dma_wait3A_1073 = arith.constant 0 : i32
    %dma_wait3A_1074 = arith.constant 0 : i32
    %dma_wait3A_1075 = tpu.memref_slice %arg16[%dma_wait3A_1073, %dma_wait3A_1074] : memref<512x128xf32, #tpu.memory_space<vmem>> -> memref<128x128xf32, #tpu.memory_space<vmem>>
    %dma_wait3A_1076 = arith.constant 0 : i32
    %dma_wait3A_1077 = tpu.memref_slice %arg7[%add3A_1008, %dma_wait3A_1076] : memref<16384x128xf32, #tpu.memory_space<hbm>> -> memref<128x128xf32, #tpu.memory_space<hbm>>
    %dma_wait3A_1078 = arith.constant 0 : i32
    %dma_wait3A_1079 = tpu.memref_slice %arg7[%add3A_1008, %dma_wait3A_1078] : memref<16384x128xf32, #tpu.memory_space<hbm>> -> memref<128x128xf32, #tpu.memory_space<hbm>>
    %dma_wait3A_1080 = arith.constant 0 : i32
    %dma_wait3A_1081 = arith.constant 0 : i32
    %dma_wait3A_1082 = tpu.memref_slice %arg16[%dma_wait3A_1080, %dma_wait3A_1081] : memref<512x128xf32, #tpu.memory_space<vmem>> -> memref<128x128xf32, #tpu.memory_space<vmem>>
    tpu.wait_dma2 semaphore(%arg19 : memref<!tpu.dma_semaphore, #tpu.memory_space<semaphore_mem>>) src(%dma_wait3A_1082 : memref<128x128xf32, #tpu.memory_space<vmem>>) dst(%dma_wait3A_1079 : memref<128x128xf32, #tpu.memory_space<hbm>>)
    %dma_wait3A_1083 = arith.constant 128 : i32
    %dma_wait3A_1084 = arith.constant 0 : i32
    %dma_wait3A_1085 = tpu.memref_slice %arg16[%dma_wait3A_1083, %dma_wait3A_1084] : memref<512x128xf32, #tpu.memory_space<vmem>> -> memref<128x128xf32, #tpu.memory_space<vmem>>
    %dma_wait3A_1086 = arith.constant 0 : i32
    %dma_wait3A_1087 = tpu.memref_slice %arg7[%add3A_1026, %dma_wait3A_1086] : memref<16384x128xf32, #tpu.memory_space<hbm>> -> memref<128x128xf32, #tpu.memory_space<hbm>>
    %dma_wait3A_1088 = arith.constant 0 : i32
    %dma_wait3A_1089 = tpu.memref_slice %arg7[%add3A_1026, %dma_wait3A_1088] : memref<16384x128xf32, #tpu.memory_space<hbm>> -> memref<128x128xf32, #tpu.memory_space<hbm>>
    %dma_wait3A_1090 = arith.constant 128 : i32
    %dma_wait3A_1091 = arith.constant 0 : i32
    %dma_wait3A_1092 = tpu.memref_slice %arg16[%dma_wait3A_1090, %dma_wait3A_1091] : memref<512x128xf32, #tpu.memory_space<vmem>> -> memref<128x128xf32, #tpu.memory_space<vmem>>
    tpu.wait_dma2 semaphore(%arg19 : memref<!tpu.dma_semaphore, #tpu.memory_space<semaphore_mem>>) src(%dma_wait3A_1092 : memref<128x128xf32, #tpu.memory_space<vmem>>) dst(%dma_wait3A_1089 : memref<128x128xf32, #tpu.memory_space<hbm>>)
    %dma_wait3A_1093 = arith.constant 256 : i32
    %dma_wait3A_1094 = arith.constant 0 : i32
    %dma_wait3A_1095 = tpu.memref_slice %arg16[%dma_wait3A_1093, %dma_wait3A_1094] : memref<512x128xf32, #tpu.memory_space<vmem>> -> memref<128x128xf32, #tpu.memory_space<vmem>>
    %dma_wait3A_1096 = arith.constant 0 : i32
    %dma_wait3A_1097 = tpu.memref_slice %arg7[%add3A_1044, %dma_wait3A_1096] : memref<16384x128xf32, #tpu.memory_space<hbm>> -> memref<128x128xf32, #tpu.memory_space<hbm>>
    %dma_wait3A_1098 = arith.constant 0 : i32
    %dma_wait3A_1099 = tpu.memref_slice %arg7[%add3A_1044, %dma_wait3A_1098] : memref<16384x128xf32, #tpu.memory_space<hbm>> -> memref<128x128xf32, #tpu.memory_space<hbm>>
    %dma_wait3A_1100 = arith.constant 256 : i32
    %dma_wait3A_1101 = arith.constant 0 : i32
    %dma_wait3A_1102 = tpu.memref_slice %arg16[%dma_wait3A_1100, %dma_wait3A_1101] : memref<512x128xf32, #tpu.memory_space<vmem>> -> memref<128x128xf32, #tpu.memory_space<vmem>>
    tpu.wait_dma2 semaphore(%arg19 : memref<!tpu.dma_semaphore, #tpu.memory_space<semaphore_mem>>) src(%dma_wait3A_1102 : memref<128x128xf32, #tpu.memory_space<vmem>>) dst(%dma_wait3A_1099 : memref<128x128xf32, #tpu.memory_space<hbm>>)
    %dma_wait3A_1103 = arith.constant 384 : i32
    %dma_wait3A_1104 = arith.constant 0 : i32
    %dma_wait3A_1105 = tpu.memref_slice %arg16[%dma_wait3A_1103, %dma_wait3A_1104] : memref<512x128xf32, #tpu.memory_space<vmem>> -> memref<128x128xf32, #tpu.memory_space<vmem>>
    %dma_wait3A_1106 = arith.constant 0 : i32
    %dma_wait3A_1107 = tpu.memref_slice %arg7[%add3A_1062, %dma_wait3A_1106] : memref<16384x128xf32, #tpu.memory_space<hbm>> -> memref<128x128xf32, #tpu.memory_space<hbm>>
    %dma_wait3A_1108 = arith.constant 0 : i32
    %dma_wait3A_1109 = tpu.memref_slice %arg7[%add3A_1062, %dma_wait3A_1108] : memref<16384x128xf32, #tpu.memory_space<hbm>> -> memref<128x128xf32, #tpu.memory_space<hbm>>
    %dma_wait3A_1110 = arith.constant 384 : i32
    %dma_wait3A_1111 = arith.constant 0 : i32
    %dma_wait3A_1112 = tpu.memref_slice %arg16[%dma_wait3A_1110, %dma_wait3A_1111] : memref<512x128xf32, #tpu.memory_space<vmem>> -> memref<128x128xf32, #tpu.memory_space<vmem>>
    tpu.wait_dma2 semaphore(%arg19 : memref<!tpu.dma_semaphore, #tpu.memory_space<semaphore_mem>>) src(%dma_wait3A_1112 : memref<128x128xf32, #tpu.memory_space<vmem>>) dst(%dma_wait3A_1109 : memref<128x128xf32, #tpu.memory_space<hbm>>)
    return
  }
}

module attributes {stable_mosaic.version = 14 : i64} {
  func.func @_main_body(%arg0: i32, %arg1: memref<8192x12xf32, #tpu.memory_space<vmem>>, %arg2: memref<8192x128xf32, #tpu.memory_space<vmem>>, %arg3: memref<12x64xf32, #tpu.memory_space<vmem>>, %arg4: memref<1x64xf32, #tpu.memory_space<vmem>>, %arg5: memref<64x32xf32, #tpu.memory_space<vmem>>, %arg6: memref<1x32xf32, #tpu.memory_space<vmem>>, %arg7: memref<128x128xf32, #tpu.memory_space<vmem>>, %arg8: memref<1x128xf32, #tpu.memory_space<vmem>>, %arg9: memref<8192x128xf32, #tpu.memory_space<vmem>>) attributes {dimension_semantics = [#tpu.dimension_semantics<arbitrary>], iteration_bounds = array<i64: 2>, scalar_prefetch = 0 : i64, scratch_operands = 0 : i64, tpu.core_type = #tpu.core_type<tc>, window_params = [{transform_indices = @transform_0, window_bounds = array<i64: 8192, 12>}, {transform_indices = @transform_1, window_bounds = array<i64: 8192, 128>}, {pipeline_mode = #tpu.pipeline_mode<synchronous>, transform_indices = @transform_2, window_bounds = array<i64: 12, 64>}, {pipeline_mode = #tpu.pipeline_mode<synchronous>, transform_indices = @transform_3, window_bounds = array<i64: 1, 64>}, {pipeline_mode = #tpu.pipeline_mode<synchronous>, transform_indices = @transform_4, window_bounds = array<i64: 64, 32>}, {pipeline_mode = #tpu.pipeline_mode<synchronous>, transform_indices = @transform_5, window_bounds = array<i64: 1, 32>}, {pipeline_mode = #tpu.pipeline_mode<synchronous>, transform_indices = @transform_6, window_bounds = array<i64: 128, 128>}, {pipeline_mode = #tpu.pipeline_mode<synchronous>, transform_indices = @transform_7, window_bounds = array<i64: 1, 128>}, {transform_indices = @transform_8, window_bounds = array<i64: 8192, 128>}]} {
    %get3A = arith.constant 0 : index
    %get3A_0 = arith.constant 0 : index
    %get3A_1 = vector.load %arg1[%get3A, %get3A_0] : memref<8192x12xf32, #tpu.memory_space<vmem>>, vector<8192x12xf32>
    %get3A_2 = arith.constant 0 : index
    %get3A_3 = arith.constant 0 : index
    %get3A_4 = vector.load %arg3[%get3A_2, %get3A_3] : memref<12x64xf32, #tpu.memory_space<vmem>>, vector<12x64xf32>
    %dot_general3A = arith.constant dense<0.000000e+00> : vector<8192x64xf32>
    %dot_general3A_5 = tpu.matmul %get3A_1, %get3A_4, %dot_general3A {dimension_numbers = #tpu.dot_dimension_numbers<[1], [0], [0], [1], [0, 0, 1, 1], [], []>, transpose_lhs_hint = false} : vector<8192x12xf32>, vector<12x64xf32>, vector<8192x64xf32> -> vector<8192x64xf32>
    %get3A_6 = arith.constant 0 : index
    %get3A_7 = arith.constant 0 : index
    %get3A_8 = vector.load %arg4[%get3A_6, %get3A_7] : memref<1x64xf32, #tpu.memory_space<vmem>>, vector<1x64xf32>
    %add3A = vector.broadcast %get3A_8 : vector<1x64xf32> to vector<8192x64xf32>
    %add3A_9 = arith.addf %dot_general3A_5, %add3A : vector<8192x64xf32>
    %max3A = arith.constant 0.000000e+00 : f32
    %max3A_10 = vector.broadcast %max3A : f32 to vector<8192x64xf32>
    %max3A_11 = arith.maximumf %add3A_9, %max3A_10 : vector<8192x64xf32>
    %get3A_12 = arith.constant 96 : index
    %get3A_13 = arith.constant 0 : index
    %get3A_14 = vector.load %arg7[%get3A_12, %get3A_13] : memref<128x128xf32, #tpu.memory_space<vmem>>, vector<32x128xf32>
    %get3A_15 = arith.constant 0 : index
    %get3A_16 = arith.constant 0 : index
    %get3A_17 = vector.load %arg5[%get3A_15, %get3A_16] : memref<64x32xf32, #tpu.memory_space<vmem>>, vector<64x32xf32>
    %dot_general3A_18 = arith.constant dense<0.000000e+00> : vector<64x128xf32>
    %dot_general3A_19 = tpu.matmul %get3A_17, %get3A_14, %dot_general3A_18 {dimension_numbers = #tpu.dot_dimension_numbers<[1], [0], [0], [1], [0, 0, 1, 1], [], []>, transpose_lhs_hint = false} : vector<64x32xf32>, vector<32x128xf32>, vector<64x128xf32> -> vector<64x128xf32>
    %get3A_20 = arith.constant 0 : index
    %get3A_21 = arith.constant 0 : index
    %get3A_22 = vector.load %arg6[%get3A_20, %get3A_21] : memref<1x32xf32, #tpu.memory_space<vmem>>, vector<1x32xf32>
    %dot_general3A_23 = arith.constant dense<0.000000e+00> : vector<1x128xf32>
    %dot_general3A_24 = tpu.matmul %get3A_22, %get3A_14, %dot_general3A_23 {dimension_numbers = #tpu.dot_dimension_numbers<[1], [0], [0], [1], [0, 0, 1, 1], [], []>, transpose_lhs_hint = false} : vector<1x32xf32>, vector<32x128xf32>, vector<1x128xf32> -> vector<1x128xf32>
    %get3A_25 = arith.constant 0 : index
    %get3A_26 = arith.constant 0 : index
    %get3A_27 = vector.load %arg8[%get3A_25, %get3A_26] : memref<1x128xf32, #tpu.memory_space<vmem>>, vector<1x128xf32>
    %add3A_28 = arith.addf %dot_general3A_24, %get3A_27 : vector<1x128xf32>
    %dot_general3A_29 = arith.constant dense<0.000000e+00> : vector<8192x128xf32>
    %dot_general3A_30 = tpu.matmul %max3A_11, %dot_general3A_19, %dot_general3A_29 {dimension_numbers = #tpu.dot_dimension_numbers<[1], [0], [0], [1], [0, 0, 1, 1], [], []>, transpose_lhs_hint = false} : vector<8192x64xf32>, vector<64x128xf32>, vector<8192x128xf32> -> vector<8192x128xf32>
    %get3A_31 = arith.constant 0 : index
    %get3A_32 = arith.constant 0 : index
    %get3A_33 = vector.load %arg2[%get3A_31, %get3A_32] : memref<8192x128xf32, #tpu.memory_space<vmem>>, vector<8192x128xf32>
    %add3A_34 = arith.addf %dot_general3A_30, %get3A_33 : vector<8192x128xf32>
    %add3A_35 = vector.broadcast %add3A_28 : vector<1x128xf32> to vector<8192x128xf32>
    %add3A_36 = arith.addf %add3A_34, %add3A_35 : vector<8192x128xf32>
    %swap3A = arith.constant 0 : index
    %swap3A_37 = arith.constant 0 : index
    %swap3A_38 = vector.load %arg9[%swap3A, %swap3A_37] : memref<8192x128xf32, #tpu.memory_space<vmem>>, vector<8192x128xf32>
    tpu.vector_store %arg9[%swap3A, %swap3A_37], %add3A_36 {strides = array<i32>} : memref<8192x128xf32, #tpu.memory_space<vmem>>, vector<8192x128xf32>,
    return
  }
  func.func @transform_0(%arg0: i32) -> (i32, i32) {
    %c0_i32 = arith.constant 0 : i32
    %c0_i32_0 = arith.constant 0 : i32
    return %arg0, %c0_i32 : i32, i32
  }
  func.func @transform_1(%arg0: i32) -> (i32, i32) {
    %c0_i32 = arith.constant 0 : i32
    %c0_i32_0 = arith.constant 0 : i32
    return %arg0, %c0_i32 : i32, i32
  }
  func.func @transform_2(%arg0: i32) -> (i32, i32) {
    %c0_i32 = arith.constant 0 : i32
    %c0_i32_0 = arith.constant 0 : i32
    %c0_i32_1 = arith.constant 0 : i32
    return %c0_i32, %c0_i32_0 : i32, i32
  }
  func.func @transform_3(%arg0: i32) -> (i32, i32) {
    %c0_i32 = arith.constant 0 : i32
    %c0_i32_0 = arith.constant 0 : i32
    %c0_i32_1 = arith.constant 0 : i32
    return %c0_i32, %c0_i32_0 : i32, i32
  }
  func.func @transform_4(%arg0: i32) -> (i32, i32) {
    %c0_i32 = arith.constant 0 : i32
    %c0_i32_0 = arith.constant 0 : i32
    %c0_i32_1 = arith.constant 0 : i32
    return %c0_i32, %c0_i32_0 : i32, i32
  }
  func.func @transform_5(%arg0: i32) -> (i32, i32) {
    %c0_i32 = arith.constant 0 : i32
    %c0_i32_0 = arith.constant 0 : i32
    %c0_i32_1 = arith.constant 0 : i32
    return %c0_i32, %c0_i32_0 : i32, i32
  }
  func.func @transform_6(%arg0: i32) -> (i32, i32) {
    %c0_i32 = arith.constant 0 : i32
    %c0_i32_0 = arith.constant 0 : i32
    %c0_i32_1 = arith.constant 0 : i32
    return %c0_i32, %c0_i32_0 : i32, i32
  }
  func.func @transform_7(%arg0: i32) -> (i32, i32) {
    %c0_i32 = arith.constant 0 : i32
    %c0_i32_0 = arith.constant 0 : i32
    %c0_i32_1 = arith.constant 0 : i32
    return %c0_i32, %c0_i32_0 : i32, i32
  }
  func.func @transform_8(%arg0: i32) -> (i32, i32) {
    %c0_i32 = arith.constant 0 : i32
    %c0_i32_0 = arith.constant 0 : i32
    return %arg0, %c0_i32 : i32, i32
  }
}

module attributes {stable_mosaic.version = 14 : i64} {
  func.func @_prep_body(%arg0: memref<4x32xf32, #tpu.memory_space<vmem>>, %arg1: memref<4x32xf32, #tpu.memory_space<vmem>>, %arg2: memref<2x16xf32, #tpu.memory_space<vmem>>, %arg3: memref<3x16xf32, #tpu.memory_space<vmem>>, %arg4: memref<128x128xf32, #tpu.memory_space<vmem>>, %arg5: memref<3072x128xf32, #tpu.memory_space<vmem>>) attributes {dimension_semantics = [], scalar_prefetch = 0 : i64, scratch_operands = 0 : i64, tpu.core_type = #tpu.core_type<tc>} {
    %get3A = arith.constant 0 : index
    %get3A_0 = arith.constant 0 : index
    %get3A_1 = vector.load %arg0[%get3A, %get3A_0] : memref<4x32xf32, #tpu.memory_space<vmem>>, vector<4x32xf32>
    %get3A_2 = arith.constant 0 : index
    %get3A_3 = arith.constant 0 : index
    %get3A_4 = vector.load %arg4[%get3A_2, %get3A_3] : memref<128x128xf32, #tpu.memory_space<vmem>>, vector<32x128xf32>
    %dot_general3A = arith.constant dense<0.000000e+00> : vector<4x128xf32>
    %dot_general3A_5 = tpu.matmul %get3A_1, %get3A_4, %dot_general3A {dimension_numbers = #tpu.dot_dimension_numbers<[1], [0], [0], [1], [0, 0, 1, 1], [], []>, transpose_lhs_hint = false} : vector<4x32xf32>, vector<32x128xf32>, vector<4x128xf32> -> vector<4x128xf32>
    %get3A_6 = arith.constant 0 : index
    %get3A_7 = arith.constant 0 : index
    %get3A_8 = vector.load %arg1[%get3A_6, %get3A_7] : memref<4x32xf32, #tpu.memory_space<vmem>>, vector<4x32xf32>
    %get3A_9 = arith.constant 32 : index
    %get3A_10 = arith.constant 0 : index
    %get3A_11 = vector.load %arg4[%get3A_9, %get3A_10] : memref<128x128xf32, #tpu.memory_space<vmem>>, vector<32x128xf32>
    %dot_general3A_12 = arith.constant dense<0.000000e+00> : vector<4x128xf32>
    %dot_general3A_13 = tpu.matmul %get3A_8, %get3A_11, %dot_general3A_12 {dimension_numbers = #tpu.dot_dimension_numbers<[1], [0], [0], [1], [0, 0, 1, 1], [], []>, transpose_lhs_hint = false} : vector<4x32xf32>, vector<32x128xf32>, vector<4x128xf32> -> vector<4x128xf32>
    %get3A_14 = arith.constant 0 : index
    %get3A_15 = arith.constant 0 : index
    %get3A_16 = vector.load %arg2[%get3A_14, %get3A_15] : memref<2x16xf32, #tpu.memory_space<vmem>>, vector<2x16xf32>
    %get3A_17 = arith.constant 64 : index
    %get3A_18 = arith.constant 0 : index
    %get3A_19 = vector.load %arg4[%get3A_17, %get3A_18] : memref<128x128xf32, #tpu.memory_space<vmem>>, vector<16x128xf32>
    %dot_general3A_20 = arith.constant dense<0.000000e+00> : vector<2x128xf32>
    %dot_general3A_21 = tpu.matmul %get3A_16, %get3A_19, %dot_general3A_20 {dimension_numbers = #tpu.dot_dimension_numbers<[1], [0], [0], [1], [0, 0, 1, 1], [], []>, transpose_lhs_hint = false} : vector<2x16xf32>, vector<16x128xf32>, vector<2x128xf32> -> vector<2x128xf32>
    %get3A_22 = arith.constant 0 : index
    %get3A_23 = arith.constant 0 : index
    %get3A_24 = vector.load %arg3[%get3A_22, %get3A_23] : memref<3x16xf32, #tpu.memory_space<vmem>>, vector<3x16xf32>
    %get3A_25 = arith.constant 80 : index
    %get3A_26 = arith.constant 0 : index
    %get3A_27 = vector.load %arg4[%get3A_25, %get3A_26] : memref<128x128xf32, #tpu.memory_space<vmem>>, vector<16x128xf32>
    %dot_general3A_28 = arith.constant dense<0.000000e+00> : vector<3x128xf32>
    %dot_general3A_29 = tpu.matmul %get3A_24, %get3A_27, %dot_general3A_28 {dimension_numbers = #tpu.dot_dimension_numbers<[1], [0], [0], [1], [0, 0, 1, 1], [], []>, transpose_lhs_hint = false} : vector<3x16xf32>, vector<16x128xf32>, vector<3x128xf32> -> vector<3x128xf32>
    %iota3A = tpu.iota {dimensions = array<i32: 0>} : vector<96x1xi32>
    %jit3A = arith.constant 24 : i32
    %div3A = vector.broadcast %jit3A : i32 to vector<96x1xi32>
    %div3A_30 = arith.divsi %iota3A, %div3A : vector<96x1xi32>
    %sign3A = arith.constant 0 : i32
    %sign3A_31 = vector.broadcast %sign3A : i32 to vector<96x1xi32>
    %sign3A_32 = arith.cmpi sgt, %iota3A, %sign3A_31 : vector<96x1xi32>
    %sign3A_33 = arith.extui %sign3A_32 : vector<96x1xi1> to vector<96x1xi32>
    %sign3A_34 = arith.constant 0 : i32
    %sign3A_35 = vector.broadcast %sign3A_34 : i32 to vector<96x1xi32>
    %sign3A_36 = arith.cmpi slt, %iota3A, %sign3A_35 : vector<96x1xi32>
    %sign3A_37 = arith.extui %sign3A_36 : vector<96x1xi1> to vector<96x1xi32>
    %sign3A_38 = arith.subi %sign3A_33, %sign3A_37 : vector<96x1xi32>
    %sign3A_39 = arith.constant 0 : i32
    %sign3A_40 = arith.cmpi sgt, %jit3A, %sign3A_39 : i32
    %sign3A_41 = arith.extui %sign3A_40 : i1 to i32
    %sign3A_42 = arith.constant 0 : i32
    %sign3A_43 = arith.cmpi slt, %jit3A, %sign3A_42 : i32
    %sign3A_44 = arith.extui %sign3A_43 : i1 to i32
    %sign3A_45 = arith.subi %sign3A_41, %sign3A_44 : i32
    %ne3A = vector.broadcast %sign3A_45 : i32 to vector<96x1xi32>
    %ne3A_46 = arith.cmpi ne, %sign3A_38, %ne3A : vector<96x1xi32>
    %rem3A = vector.broadcast %jit3A : i32 to vector<96x1xi32>
    %rem3A_47 = arith.remsi %iota3A, %rem3A : vector<96x1xi32>
    %ne3A_48 = arith.constant 0 : i32
    %ne3A_49 = vector.broadcast %ne3A_48 : i32 to vector<96x1xi32>
    %ne3A_50 = arith.cmpi ne, %rem3A_47, %ne3A_49 : vector<96x1xi32>
    %and3A = arith.andi %ne3A_46, %ne3A_50 : vector<96x1xi1>
    %sub3A = arith.constant 1 : i32
    %sub3A_51 = vector.broadcast %sub3A : i32 to vector<96x1xi32>
    %sub3A_52 = arith.subi %div3A_30, %sub3A_51 : vector<96x1xi32>
    %select_n3A = arith.select %and3A, %sub3A_52, %div3A_30 : vector<96x1xi1>, vector<96x1xi32>
    %iota3A_53 = tpu.iota {dimensions = array<i32: 1>} : vector<96x4xi32>
    %eq3A = vector.broadcast %select_n3A : vector<96x1xi32> to vector<96x4xi32>
    %eq3A_54 = arith.cmpi eq, %eq3A, %iota3A_53 : vector<96x4xi32>
    %convert_element_type3A = arith.extui %eq3A_54 : vector<96x4xi1> to vector<96x4xi32>
    %convert_element_type3A_55 = arith.sitofp %convert_element_type3A : vector<96x4xi32> to vector<96x4xf32>
    %jit3A_56 = arith.constant 6 : i32
    %div3A_57 = vector.broadcast %jit3A_56 : i32 to vector<96x1xi32>
    %div3A_58 = arith.divsi %iota3A, %div3A_57 : vector<96x1xi32>
    %sign3A_59 = arith.constant 0 : i32
    %sign3A_60 = vector.broadcast %sign3A_59 : i32 to vector<96x1xi32>
    %sign3A_61 = arith.cmpi sgt, %iota3A, %sign3A_60 : vector<96x1xi32>
    %sign3A_62 = arith.extui %sign3A_61 : vector<96x1xi1> to vector<96x1xi32>
    %sign3A_63 = arith.constant 0 : i32
    %sign3A_64 = vector.broadcast %sign3A_63 : i32 to vector<96x1xi32>
    %sign3A_65 = arith.cmpi slt, %iota3A, %sign3A_64 : vector<96x1xi32>
    %sign3A_66 = arith.extui %sign3A_65 : vector<96x1xi1> to vector<96x1xi32>
    %sign3A_67 = arith.subi %sign3A_62, %sign3A_66 : vector<96x1xi32>
    %sign3A_68 = arith.constant 0 : i32
    %sign3A_69 = arith.cmpi sgt, %jit3A_56, %sign3A_68 : i32
    %sign3A_70 = arith.extui %sign3A_69 : i1 to i32
    %sign3A_71 = arith.constant 0 : i32
    %sign3A_72 = arith.cmpi slt, %jit3A_56, %sign3A_71 : i32
    %sign3A_73 = arith.extui %sign3A_72 : i1 to i32
    %sign3A_74 = arith.subi %sign3A_70, %sign3A_73 : i32
    %ne3A_75 = vector.broadcast %sign3A_74 : i32 to vector<96x1xi32>
    %ne3A_76 = arith.cmpi ne, %sign3A_67, %ne3A_75 : vector<96x1xi32>
    %rem3A_77 = vector.broadcast %jit3A_56 : i32 to vector<96x1xi32>
    %rem3A_78 = arith.remsi %iota3A, %rem3A_77 : vector<96x1xi32>
    %ne3A_79 = arith.constant 0 : i32
    %ne3A_80 = vector.broadcast %ne3A_79 : i32 to vector<96x1xi32>
    %ne3A_81 = arith.cmpi ne, %rem3A_78, %ne3A_80 : vector<96x1xi32>
    %and3A_82 = arith.andi %ne3A_76, %ne3A_81 : vector<96x1xi1>
    %sub3A_83 = arith.constant 1 : i32
    %sub3A_84 = vector.broadcast %sub3A_83 : i32 to vector<96x1xi32>
    %sub3A_85 = arith.subi %div3A_58, %sub3A_84 : vector<96x1xi32>
    %select_n3A_86 = arith.select %and3A_82, %sub3A_85, %div3A_58 : vector<96x1xi1>, vector<96x1xi32>
    %jit3A_87 = arith.constant 4 : i32
    %eq3A_88 = arith.constant 0 : i32
    %eq3A_89 = arith.cmpi eq, %jit3A_87, %eq3A_88 : i32
    %jit3A_90 = arith.constant 1 : i32
    %select_n3A_91 = arith.select %eq3A_89, %jit3A_90, %jit3A_87 : i32
    %rem3A_92 = vector.broadcast %select_n3A_91 : i32 to vector<96x1xi32>
    %rem3A_93 = arith.remsi %select_n3A_86, %rem3A_92 : vector<96x1xi32>
    %ne3A_94 = arith.constant 0 : i32
    %ne3A_95 = vector.broadcast %ne3A_94 : i32 to vector<96x1xi32>
    %ne3A_96 = arith.cmpi ne, %rem3A_93, %ne3A_95 : vector<96x1xi32>
    %lt3A = arith.constant 0 : i32
    %lt3A_97 = vector.broadcast %lt3A : i32 to vector<96x1xi32>
    %lt3A_98 = arith.cmpi slt, %rem3A_93, %lt3A_97 : vector<96x1xi32>
    %lt3A_99 = arith.constant 0 : i32
    %lt3A_100 = arith.cmpi slt, %select_n3A_91, %lt3A_99 : i32
    %ne3A_101 = vector.broadcast %lt3A_100 : i1 to vector<96x1xi1>
    %ne3A_102 = vector.broadcast %ne3A_101 : vector<96x1xi1> to vector<96x1xi1>
    %ne3A_103 = arith.xori %lt3A_98, %ne3A_102 : vector<96x1xi1>
    %and3A_104 = arith.andi %ne3A_103, %ne3A_96 : vector<96x1xi1>
    %add3A = vector.broadcast %select_n3A_91 : i32 to vector<96x1xi32>
    %add3A_105 = arith.addi %rem3A_93, %add3A : vector<96x1xi32>
    %select_n3A_106 = arith.select %and3A_104, %add3A_105, %rem3A_93 : vector<96x1xi1>, vector<96x1xi32>
    %iota3A_107 = tpu.iota {dimensions = array<i32: 1>} : vector<96x4xi32>
    %eq3A_108 = vector.broadcast %select_n3A_106 : vector<96x1xi32> to vector<96x4xi32>
    %eq3A_109 = arith.cmpi eq, %eq3A_108, %iota3A_107 : vector<96x4xi32>
    %convert_element_type3A_110 = arith.extui %eq3A_109 : vector<96x4xi1> to vector<96x4xi32>
    %convert_element_type3A_111 = arith.sitofp %convert_element_type3A_110 : vector<96x4xi32> to vector<96x4xf32>
    %jit3A_112 = arith.constant 3 : i32
    %div3A_113 = vector.broadcast %jit3A_112 : i32 to vector<96x1xi32>
    %div3A_114 = arith.divsi %iota3A, %div3A_113 : vector<96x1xi32>
    %sign3A_115 = arith.constant 0 : i32
    %sign3A_116 = vector.broadcast %sign3A_115 : i32 to vector<96x1xi32>
    %sign3A_117 = arith.cmpi sgt, %iota3A, %sign3A_116 : vector<96x1xi32>
    %sign3A_118 = arith.extui %sign3A_117 : vector<96x1xi1> to vector<96x1xi32>
    %sign3A_119 = arith.constant 0 : i32
    %sign3A_120 = vector.broadcast %sign3A_119 : i32 to vector<96x1xi32>
    %sign3A_121 = arith.cmpi slt, %iota3A, %sign3A_120 : vector<96x1xi32>
    %sign3A_122 = arith.extui %sign3A_121 : vector<96x1xi1> to vector<96x1xi32>
    %sign3A_123 = arith.subi %sign3A_118, %sign3A_122 : vector<96x1xi32>
    %sign3A_124 = arith.constant 0 : i32
    %sign3A_125 = arith.cmpi sgt, %jit3A_112, %sign3A_124 : i32
    %sign3A_126 = arith.extui %sign3A_125 : i1 to i32
    %sign3A_127 = arith.constant 0 : i32
    %sign3A_128 = arith.cmpi slt, %jit3A_112, %sign3A_127 : i32
    %sign3A_129 = arith.extui %sign3A_128 : i1 to i32
    %sign3A_130 = arith.subi %sign3A_126, %sign3A_129 : i32
    %ne3A_131 = vector.broadcast %sign3A_130 : i32 to vector<96x1xi32>
    %ne3A_132 = arith.cmpi ne, %sign3A_123, %ne3A_131 : vector<96x1xi32>
    %rem3A_133 = vector.broadcast %jit3A_112 : i32 to vector<96x1xi32>
    %rem3A_134 = arith.remsi %iota3A, %rem3A_133 : vector<96x1xi32>
    %ne3A_135 = arith.constant 0 : i32
    %ne3A_136 = vector.broadcast %ne3A_135 : i32 to vector<96x1xi32>
    %ne3A_137 = arith.cmpi ne, %rem3A_134, %ne3A_136 : vector<96x1xi32>
    %and3A_138 = arith.andi %ne3A_132, %ne3A_137 : vector<96x1xi1>
    %sub3A_139 = arith.constant 1 : i32
    %sub3A_140 = vector.broadcast %sub3A_139 : i32 to vector<96x1xi32>
    %sub3A_141 = arith.subi %div3A_114, %sub3A_140 : vector<96x1xi32>
    %select_n3A_142 = arith.select %and3A_138, %sub3A_141, %div3A_114 : vector<96x1xi1>, vector<96x1xi32>
    %jit3A_143 = arith.constant 2 : i32
    %eq3A_144 = arith.constant 0 : i32
    %eq3A_145 = arith.cmpi eq, %jit3A_143, %eq3A_144 : i32
    %jit3A_146 = arith.constant 1 : i32
    %select_n3A_147 = arith.select %eq3A_145, %jit3A_146, %jit3A_143 : i32
    %rem3A_148 = vector.broadcast %select_n3A_147 : i32 to vector<96x1xi32>
    %rem3A_149 = arith.remsi %select_n3A_142, %rem3A_148 : vector<96x1xi32>
    %ne3A_150 = arith.constant 0 : i32
    %ne3A_151 = vector.broadcast %ne3A_150 : i32 to vector<96x1xi32>
    %ne3A_152 = arith.cmpi ne, %rem3A_149, %ne3A_151 : vector<96x1xi32>
    %lt3A_153 = arith.constant 0 : i32
    %lt3A_154 = vector.broadcast %lt3A_153 : i32 to vector<96x1xi32>
    %lt3A_155 = arith.cmpi slt, %rem3A_149, %lt3A_154 : vector<96x1xi32>
    %lt3A_156 = arith.constant 0 : i32
    %lt3A_157 = arith.cmpi slt, %select_n3A_147, %lt3A_156 : i32
    %ne3A_158 = vector.broadcast %lt3A_157 : i1 to vector<96x1xi1>
    %ne3A_159 = vector.broadcast %ne3A_158 : vector<96x1xi1> to vector<96x1xi1>
    %ne3A_160 = arith.xori %lt3A_155, %ne3A_159 : vector<96x1xi1>
    %and3A_161 = arith.andi %ne3A_160, %ne3A_152 : vector<96x1xi1>
    %add3A_162 = vector.broadcast %select_n3A_147 : i32 to vector<96x1xi32>
    %add3A_163 = arith.addi %rem3A_149, %add3A_162 : vector<96x1xi32>
    %select_n3A_164 = arith.select %and3A_161, %add3A_163, %rem3A_149 : vector<96x1xi1>, vector<96x1xi32>
    %iota3A_165 = tpu.iota {dimensions = array<i32: 1>} : vector<96x2xi32>
    %eq3A_166 = vector.broadcast %select_n3A_164 : vector<96x1xi32> to vector<96x2xi32>
    %eq3A_167 = arith.cmpi eq, %eq3A_166, %iota3A_165 : vector<96x2xi32>
    %convert_element_type3A_168 = arith.extui %eq3A_167 : vector<96x2xi1> to vector<96x2xi32>
    %convert_element_type3A_169 = arith.sitofp %convert_element_type3A_168 : vector<96x2xi32> to vector<96x2xf32>
    %jit3A_170 = arith.constant 3 : i32
    %eq3A_171 = arith.constant 0 : i32
    %eq3A_172 = arith.cmpi eq, %jit3A_170, %eq3A_171 : i32
    %jit3A_173 = arith.constant 1 : i32
    %select_n3A_174 = arith.select %eq3A_172, %jit3A_173, %jit3A_170 : i32
    %rem3A_175 = vector.broadcast %select_n3A_174 : i32 to vector<96x1xi32>
    %rem3A_176 = arith.remsi %iota3A, %rem3A_175 : vector<96x1xi32>
    %ne3A_177 = arith.constant 0 : i32
    %ne3A_178 = vector.broadcast %ne3A_177 : i32 to vector<96x1xi32>
    %ne3A_179 = arith.cmpi ne, %rem3A_176, %ne3A_178 : vector<96x1xi32>
    %lt3A_180 = arith.constant 0 : i32
    %lt3A_181 = vector.broadcast %lt3A_180 : i32 to vector<96x1xi32>
    %lt3A_182 = arith.cmpi slt, %rem3A_176, %lt3A_181 : vector<96x1xi32>
    %lt3A_183 = arith.constant 0 : i32
    %lt3A_184 = arith.cmpi slt, %select_n3A_174, %lt3A_183 : i32
    %ne3A_185 = vector.broadcast %lt3A_184 : i1 to vector<96x1xi1>
    %ne3A_186 = vector.broadcast %ne3A_185 : vector<96x1xi1> to vector<96x1xi1>
    %ne3A_187 = arith.xori %lt3A_182, %ne3A_186 : vector<96x1xi1>
    %and3A_188 = arith.andi %ne3A_187, %ne3A_179 : vector<96x1xi1>
    %add3A_189 = vector.broadcast %select_n3A_174 : i32 to vector<96x1xi32>
    %add3A_190 = arith.addi %rem3A_176, %add3A_189 : vector<96x1xi32>
    %select_n3A_191 = arith.select %and3A_188, %add3A_190, %rem3A_176 : vector<96x1xi1>, vector<96x1xi32>
    %iota3A_192 = tpu.iota {dimensions = array<i32: 1>} : vector<96x3xi32>
    %eq3A_193 = vector.broadcast %select_n3A_191 : vector<96x1xi32> to vector<96x3xi32>
    %eq3A_194 = arith.cmpi eq, %eq3A_193, %iota3A_192 : vector<96x3xi32>
    %convert_element_type3A_195 = arith.extui %eq3A_194 : vector<96x3xi1> to vector<96x3xi32>
    %convert_element_type3A_196 = arith.sitofp %convert_element_type3A_195 : vector<96x3xi32> to vector<96x3xf32>
    %dot_general3A_197 = arith.constant dense<0.000000e+00> : vector<96x128xf32>
    %dot_general3A_198 = tpu.matmul %convert_element_type3A_55, %dot_general3A_5, %dot_general3A_197 {dimension_numbers = #tpu.dot_dimension_numbers<[1], [0], [0], [1], [0, 0, 1, 1], [], []>, transpose_lhs_hint = false} : vector<96x4xf32>, vector<4x128xf32>, vector<96x128xf32> -> vector<96x128xf32>
    %dot_general3A_199 = arith.constant dense<0.000000e+00> : vector<96x128xf32>
    %dot_general3A_200 = tpu.matmul %convert_element_type3A_111, %dot_general3A_13, %dot_general3A_199 {dimension_numbers = #tpu.dot_dimension_numbers<[1], [0], [0], [1], [0, 0, 1, 1], [], []>, transpose_lhs_hint = false} : vector<96x4xf32>, vector<4x128xf32>, vector<96x128xf32> -> vector<96x128xf32>
    %add3A_201 = arith.addf %dot_general3A_198, %dot_general3A_200 : vector<96x128xf32>
    %dot_general3A_202 = arith.constant dense<0.000000e+00> : vector<96x128xf32>
    %dot_general3A_203 = tpu.matmul %convert_element_type3A_169, %dot_general3A_21, %dot_general3A_202 {dimension_numbers = #tpu.dot_dimension_numbers<[1], [0], [0], [1], [0, 0, 1, 1], [], []>, transpose_lhs_hint = false} : vector<96x2xf32>, vector<2x128xf32>, vector<96x128xf32> -> vector<96x128xf32>
    %add3A_204 = arith.addf %add3A_201, %dot_general3A_203 : vector<96x128xf32>
    %dot_general3A_205 = arith.constant dense<0.000000e+00> : vector<96x128xf32>
    %dot_general3A_206 = tpu.matmul %convert_element_type3A_196, %dot_general3A_29, %dot_general3A_205 {dimension_numbers = #tpu.dot_dimension_numbers<[1], [0], [0], [1], [0, 0, 1, 1], [], []>, transpose_lhs_hint = false} : vector<96x3xf32>, vector<3x128xf32>, vector<96x128xf32> -> vector<96x128xf32>
    %add3A_207 = arith.addf %add3A_204, %dot_general3A_206 : vector<96x128xf32>
    %swap3A = arith.constant 0 : index
    %swap3A_208 = arith.constant 0 : index
    %swap3A_209 = vector.load %arg5[%swap3A, %swap3A_208] : memref<3072x128xf32, #tpu.memory_space<vmem>>, vector<96x128xf32>
    tpu.vector_store %arg5[%swap3A, %swap3A_208], %add3A_207 {strides = array<i32>} : memref<3072x128xf32, #tpu.memory_space<vmem>>, vector<96x128xf32>,
    %swap3A_210 = arith.constant 96 : index
    %swap3A_211 = arith.constant 0 : index
    %swap3A_212 = vector.load %arg5[%swap3A_210, %swap3A_211] : memref<3072x128xf32, #tpu.memory_space<vmem>>, vector<96x128xf32>
    tpu.vector_store %arg5[%swap3A_210, %swap3A_211], %add3A_207 {strides = array<i32>} : memref<3072x128xf32, #tpu.memory_space<vmem>>, vector<96x128xf32>,
    %swap3A_213 = arith.constant 192 : index
    %swap3A_214 = arith.constant 0 : index
    %swap3A_215 = vector.load %arg5[%swap3A_213, %swap3A_214] : memref<3072x128xf32, #tpu.memory_space<vmem>>, vector<96x128xf32>
    tpu.vector_store %arg5[%swap3A_213, %swap3A_214], %add3A_207 {strides = array<i32>} : memref<3072x128xf32, #tpu.memory_space<vmem>>, vector<96x128xf32>,
    %swap3A_216 = arith.constant 288 : index
    %swap3A_217 = arith.constant 0 : index
    %swap3A_218 = vector.load %arg5[%swap3A_216, %swap3A_217] : memref<3072x128xf32, #tpu.memory_space<vmem>>, vector<96x128xf32>
    tpu.vector_store %arg5[%swap3A_216, %swap3A_217], %add3A_207 {strides = array<i32>} : memref<3072x128xf32, #tpu.memory_space<vmem>>, vector<96x128xf32>,
    %swap3A_219 = arith.constant 384 : index
    %swap3A_220 = arith.constant 0 : index
    %swap3A_221 = vector.load %arg5[%swap3A_219, %swap3A_220] : memref<3072x128xf32, #tpu.memory_space<vmem>>, vector<96x128xf32>
    tpu.vector_store %arg5[%swap3A_219, %swap3A_220], %add3A_207 {strides = array<i32>} : memref<3072x128xf32, #tpu.memory_space<vmem>>, vector<96x128xf32>,
    %swap3A_222 = arith.constant 480 : index
    %swap3A_223 = arith.constant 0 : index
    %swap3A_224 = vector.load %arg5[%swap3A_222, %swap3A_223] : memref<3072x128xf32, #tpu.memory_space<vmem>>, vector<96x128xf32>
    tpu.vector_store %arg5[%swap3A_222, %swap3A_223], %add3A_207 {strides = array<i32>} : memref<3072x128xf32, #tpu.memory_space<vmem>>, vector<96x128xf32>,
    %swap3A_225 = arith.constant 576 : index
    %swap3A_226 = arith.constant 0 : index
    %swap3A_227 = vector.load %arg5[%swap3A_225, %swap3A_226] : memref<3072x128xf32, #tpu.memory_space<vmem>>, vector<96x128xf32>
    tpu.vector_store %arg5[%swap3A_225, %swap3A_226], %add3A_207 {strides = array<i32>} : memref<3072x128xf32, #tpu.memory_space<vmem>>, vector<96x128xf32>,
    %swap3A_228 = arith.constant 672 : index
    %swap3A_229 = arith.constant 0 : index
    %swap3A_230 = vector.load %arg5[%swap3A_228, %swap3A_229] : memref<3072x128xf32, #tpu.memory_space<vmem>>, vector<96x128xf32>
    tpu.vector_store %arg5[%swap3A_228, %swap3A_229], %add3A_207 {strides = array<i32>} : memref<3072x128xf32, #tpu.memory_space<vmem>>, vector<96x128xf32>,
    %swap3A_231 = arith.constant 768 : index
    %swap3A_232 = arith.constant 0 : index
    %swap3A_233 = vector.load %arg5[%swap3A_231, %swap3A_232] : memref<3072x128xf32, #tpu.memory_space<vmem>>, vector<96x128xf32>
    tpu.vector_store %arg5[%swap3A_231, %swap3A_232], %add3A_207 {strides = array<i32>} : memref<3072x128xf32, #tpu.memory_space<vmem>>, vector<96x128xf32>,
    %swap3A_234 = arith.constant 864 : index
    %swap3A_235 = arith.constant 0 : index
    %swap3A_236 = vector.load %arg5[%swap3A_234, %swap3A_235] : memref<3072x128xf32, #tpu.memory_space<vmem>>, vector<96x128xf32>
    tpu.vector_store %arg5[%swap3A_234, %swap3A_235], %add3A_207 {strides = array<i32>} : memref<3072x128xf32, #tpu.memory_space<vmem>>, vector<96x128xf32>,
    %swap3A_237 = arith.constant 960 : index
    %swap3A_238 = arith.constant 0 : index
    %swap3A_239 = vector.load %arg5[%swap3A_237, %swap3A_238] : memref<3072x128xf32, #tpu.memory_space<vmem>>, vector<96x128xf32>
    tpu.vector_store %arg5[%swap3A_237, %swap3A_238], %add3A_207 {strides = array<i32>} : memref<3072x128xf32, #tpu.memory_space<vmem>>, vector<96x128xf32>,
    %swap3A_240 = arith.constant 1056 : index
    %swap3A_241 = arith.constant 0 : index
    %swap3A_242 = vector.load %arg5[%swap3A_240, %swap3A_241] : memref<3072x128xf32, #tpu.memory_space<vmem>>, vector<96x128xf32>
    tpu.vector_store %arg5[%swap3A_240, %swap3A_241], %add3A_207 {strides = array<i32>} : memref<3072x128xf32, #tpu.memory_space<vmem>>, vector<96x128xf32>,
    %swap3A_243 = arith.constant 1152 : index
    %swap3A_244 = arith.constant 0 : index
    %swap3A_245 = vector.load %arg5[%swap3A_243, %swap3A_244] : memref<3072x128xf32, #tpu.memory_space<vmem>>, vector<96x128xf32>
    tpu.vector_store %arg5[%swap3A_243, %swap3A_244], %add3A_207 {strides = array<i32>} : memref<3072x128xf32, #tpu.memory_space<vmem>>, vector<96x128xf32>,
    %swap3A_246 = arith.constant 1248 : index
    %swap3A_247 = arith.constant 0 : index
    %swap3A_248 = vector.load %arg5[%swap3A_246, %swap3A_247] : memref<3072x128xf32, #tpu.memory_space<vmem>>, vector<96x128xf32>
    tpu.vector_store %arg5[%swap3A_246, %swap3A_247], %add3A_207 {strides = array<i32>} : memref<3072x128xf32, #tpu.memory_space<vmem>>, vector<96x128xf32>,
    %swap3A_249 = arith.constant 1344 : index
    %swap3A_250 = arith.constant 0 : index
    %swap3A_251 = vector.load %arg5[%swap3A_249, %swap3A_250] : memref<3072x128xf32, #tpu.memory_space<vmem>>, vector<96x128xf32>
    tpu.vector_store %arg5[%swap3A_249, %swap3A_250], %add3A_207 {strides = array<i32>} : memref<3072x128xf32, #tpu.memory_space<vmem>>, vector<96x128xf32>,
    %swap3A_252 = arith.constant 1440 : index
    %swap3A_253 = arith.constant 0 : index
    %swap3A_254 = vector.load %arg5[%swap3A_252, %swap3A_253] : memref<3072x128xf32, #tpu.memory_space<vmem>>, vector<96x128xf32>
    tpu.vector_store %arg5[%swap3A_252, %swap3A_253], %add3A_207 {strides = array<i32>} : memref<3072x128xf32, #tpu.memory_space<vmem>>, vector<96x128xf32>,
    %swap3A_255 = arith.constant 1536 : index
    %swap3A_256 = arith.constant 0 : index
    %swap3A_257 = vector.load %arg5[%swap3A_255, %swap3A_256] : memref<3072x128xf32, #tpu.memory_space<vmem>>, vector<96x128xf32>
    tpu.vector_store %arg5[%swap3A_255, %swap3A_256], %add3A_207 {strides = array<i32>} : memref<3072x128xf32, #tpu.memory_space<vmem>>, vector<96x128xf32>,
    %swap3A_258 = arith.constant 1632 : index
    %swap3A_259 = arith.constant 0 : index
    %swap3A_260 = vector.load %arg5[%swap3A_258, %swap3A_259] : memref<3072x128xf32, #tpu.memory_space<vmem>>, vector<96x128xf32>
    tpu.vector_store %arg5[%swap3A_258, %swap3A_259], %add3A_207 {strides = array<i32>} : memref<3072x128xf32, #tpu.memory_space<vmem>>, vector<96x128xf32>,
    %swap3A_261 = arith.constant 1728 : index
    %swap3A_262 = arith.constant 0 : index
    %swap3A_263 = vector.load %arg5[%swap3A_261, %swap3A_262] : memref<3072x128xf32, #tpu.memory_space<vmem>>, vector<96x128xf32>
    tpu.vector_store %arg5[%swap3A_261, %swap3A_262], %add3A_207 {strides = array<i32>} : memref<3072x128xf32, #tpu.memory_space<vmem>>, vector<96x128xf32>,
    %swap3A_264 = arith.constant 1824 : index
    %swap3A_265 = arith.constant 0 : index
    %swap3A_266 = vector.load %arg5[%swap3A_264, %swap3A_265] : memref<3072x128xf32, #tpu.memory_space<vmem>>, vector<96x128xf32>
    tpu.vector_store %arg5[%swap3A_264, %swap3A_265], %add3A_207 {strides = array<i32>} : memref<3072x128xf32, #tpu.memory_space<vmem>>, vector<96x128xf32>,
    %swap3A_267 = arith.constant 1920 : index
    %swap3A_268 = arith.constant 0 : index
    %swap3A_269 = vector.load %arg5[%swap3A_267, %swap3A_268] : memref<3072x128xf32, #tpu.memory_space<vmem>>, vector<96x128xf32>
    tpu.vector_store %arg5[%swap3A_267, %swap3A_268], %add3A_207 {strides = array<i32>} : memref<3072x128xf32, #tpu.memory_space<vmem>>, vector<96x128xf32>,
    %swap3A_270 = arith.constant 2016 : index
    %swap3A_271 = arith.constant 0 : index
    %swap3A_272 = vector.load %arg5[%swap3A_270, %swap3A_271] : memref<3072x128xf32, #tpu.memory_space<vmem>>, vector<96x128xf32>
    tpu.vector_store %arg5[%swap3A_270, %swap3A_271], %add3A_207 {strides = array<i32>} : memref<3072x128xf32, #tpu.memory_space<vmem>>, vector<96x128xf32>,
    %swap3A_273 = arith.constant 2112 : index
    %swap3A_274 = arith.constant 0 : index
    %swap3A_275 = vector.load %arg5[%swap3A_273, %swap3A_274] : memref<3072x128xf32, #tpu.memory_space<vmem>>, vector<96x128xf32>
    tpu.vector_store %arg5[%swap3A_273, %swap3A_274], %add3A_207 {strides = array<i32>} : memref<3072x128xf32, #tpu.memory_space<vmem>>, vector<96x128xf32>,
    %swap3A_276 = arith.constant 2208 : index
    %swap3A_277 = arith.constant 0 : index
    %swap3A_278 = vector.load %arg5[%swap3A_276, %swap3A_277] : memref<3072x128xf32, #tpu.memory_space<vmem>>, vector<96x128xf32>
    tpu.vector_store %arg5[%swap3A_276, %swap3A_277], %add3A_207 {strides = array<i32>} : memref<3072x128xf32, #tpu.memory_space<vmem>>, vector<96x128xf32>,
    %swap3A_279 = arith.constant 2304 : index
    %swap3A_280 = arith.constant 0 : index
    %swap3A_281 = vector.load %arg5[%swap3A_279, %swap3A_280] : memref<3072x128xf32, #tpu.memory_space<vmem>>, vector<96x128xf32>
    tpu.vector_store %arg5[%swap3A_279, %swap3A_280], %add3A_207 {strides = array<i32>} : memref<3072x128xf32, #tpu.memory_space<vmem>>, vector<96x128xf32>,
    %swap3A_282 = arith.constant 2400 : index
    %swap3A_283 = arith.constant 0 : index
    %swap3A_284 = vector.load %arg5[%swap3A_282, %swap3A_283] : memref<3072x128xf32, #tpu.memory_space<vmem>>, vector<96x128xf32>
    tpu.vector_store %arg5[%swap3A_282, %swap3A_283], %add3A_207 {strides = array<i32>} : memref<3072x128xf32, #tpu.memory_space<vmem>>, vector<96x128xf32>,
    %swap3A_285 = arith.constant 2496 : index
    %swap3A_286 = arith.constant 0 : index
    %swap3A_287 = vector.load %arg5[%swap3A_285, %swap3A_286] : memref<3072x128xf32, #tpu.memory_space<vmem>>, vector<96x128xf32>
    tpu.vector_store %arg5[%swap3A_285, %swap3A_286], %add3A_207 {strides = array<i32>} : memref<3072x128xf32, #tpu.memory_space<vmem>>, vector<96x128xf32>,
    %swap3A_288 = arith.constant 2592 : index
    %swap3A_289 = arith.constant 0 : index
    %swap3A_290 = vector.load %arg5[%swap3A_288, %swap3A_289] : memref<3072x128xf32, #tpu.memory_space<vmem>>, vector<96x128xf32>
    tpu.vector_store %arg5[%swap3A_288, %swap3A_289], %add3A_207 {strides = array<i32>} : memref<3072x128xf32, #tpu.memory_space<vmem>>, vector<96x128xf32>,
    %swap3A_291 = arith.constant 2688 : index
    %swap3A_292 = arith.constant 0 : index
    %swap3A_293 = vector.load %arg5[%swap3A_291, %swap3A_292] : memref<3072x128xf32, #tpu.memory_space<vmem>>, vector<96x128xf32>
    tpu.vector_store %arg5[%swap3A_291, %swap3A_292], %add3A_207 {strides = array<i32>} : memref<3072x128xf32, #tpu.memory_space<vmem>>, vector<96x128xf32>,
    %swap3A_294 = arith.constant 2784 : index
    %swap3A_295 = arith.constant 0 : index
    %swap3A_296 = vector.load %arg5[%swap3A_294, %swap3A_295] : memref<3072x128xf32, #tpu.memory_space<vmem>>, vector<96x128xf32>
    tpu.vector_store %arg5[%swap3A_294, %swap3A_295], %add3A_207 {strides = array<i32>} : memref<3072x128xf32, #tpu.memory_space<vmem>>, vector<96x128xf32>,
    %swap3A_297 = arith.constant 2880 : index
    %swap3A_298 = arith.constant 0 : index
    %swap3A_299 = vector.load %arg5[%swap3A_297, %swap3A_298] : memref<3072x128xf32, #tpu.memory_space<vmem>>, vector<96x128xf32>
    tpu.vector_store %arg5[%swap3A_297, %swap3A_298], %add3A_207 {strides = array<i32>} : memref<3072x128xf32, #tpu.memory_space<vmem>>, vector<96x128xf32>,
    %swap3A_300 = arith.constant 2976 : index
    %swap3A_301 = arith.constant 0 : index
    %swap3A_302 = vector.load %arg5[%swap3A_300, %swap3A_301] : memref<3072x128xf32, #tpu.memory_space<vmem>>, vector<96x128xf32>
    tpu.vector_store %arg5[%swap3A_300, %swap3A_301], %add3A_207 {strides = array<i32>} : memref<3072x128xf32, #tpu.memory_space<vmem>>, vector<96x128xf32>,
    return
  }
}

</mosaic_0001>

<sc_bundles>
// kernel: kernel.5.cloned.1.call-start
scs
__scs_entry_jumppad:
0x0: {  	(pc) =	sbr.rel $0x88, $3  }
0x1: {  	(tag) =	ssettag $0x0;
	lr =	simm.s32 $0x1  }
0x2: {  	[smem:$0x3F92] =	sst lr;
	_ =	strace $0xD0000000  }
0x3: {  	_ = 	snop  }
0x4: {  	_ = 	snop  }
0x5: {  	_ = 	snop  }
0x6: {  	_ = 	snop  }
0x7: {  	_ = 	snop  }
__scs_overlays_trampoline_lowered:
0x8: {  	[smem:$0x3FA1] =	sst s0  }
0x9: {  	[smem:$0x3FA2] =	sst s1  }
0xa: {  	[smem:$0x3FA3] =	sst s2  }
0xb: {  	[smem:$0x3FA4] =	sst s3  }
0xc: {  	[smem:$0x3FA5] =	sst s4  }
0xd: {  	[smem:$0x3FA6] =	sst s5  }
0xe: {  	[smem:$0x3FA7] =	sst s6  }
0xf: {  	[smem:$0x3FA8] =	sst s7  }
0x10: {  	[smem:$0x3FA9] =	sst s8  }
0x11: {  	[smem:$0x3FAA] =	sst s9;
	s0 =	simm.s32 @!p0 $0x0  }
0x12: {  	s1 =	sld [smem:$0x3F90];
	s0 =	simm.s32 @p0 $0x1  }
0x13: {  	[smem:$0x3FAB] =	sst s0;
	s0 =	simm.s32 @!p1 $0x0  }
0x14: {  	s2 =	sld [smem:$0x3F8F];
	s0 =	simm.s32 @p1 $0x1  }
0x15: {  	[smem:$0x3FAC] =	sst s0;
	s0 =	simm.s32 @!p2 $0x0  }
0x16: {  	s3 =	sld [smem:$0x3FDB];
	s0 =	simm.s32 @p2 $0x1  }
0x17: {  	s4 =	simm.s32 $0x1BF5;
	[smem:$0x3FAE] =	sst s0  }
0x18: {  	s0 =	sld [smem:$0x3F91];
	_ =	swait.ge [sflag:s4], $0x0  }
0x19: {  	s7 =	sld [smem:$0x3F92]  }
0x1a: {  	s8 =	sadd.s32 $0xFFFFE003, lr  }
0x1b: {  	s9 =	sadd.s32 $0xFFFFFEF7, lr;
	s5 =	simm.s32 $0xFFFFFFFF;
	p2 =	slt.u32 s8, $0xFFFFF086  }
0x1c: {  	p1 =	slt.u32 s9, $0xF7A;
	s5 =	simm.s32 @!p2 $0x0  }
0x1d: {  	s5 =	simm.s32 @p1 $0x1;
	p0 =	seq.s32 s7, s2  }
0x1e: {  	s7 =	smul.u32 @!p0 $0xF7A, s2;
	p2 =	seq.s32 @!p0 s5, $0x0  }
0x1f: {  	s9 =	smul.u32 $0xF7A, s1;
	s8 =	simm.s32 @!p0 $0x1BF5;
	p2 =	por !p2, p0  }
0x20: {  	[sflag:s8] =	ssyncset.s32 @!p0 $0xFFFFF086;
	s6 =	sadd.s32 @!p0 s3, s7;
	s7 =	simm.s32 @!p0 $0x108  }
0x21: {  	s3 =	sadd.s32 s3, s9;
	s6 =	sadd.s32 @!p0 $0x88, s6;
	s7 =	simm.s32 @p2 $0x1082  }
0x22: {  	[simem:s7], [sflag:s8] =	dma.local @!p0 [hbm:s6], $0xF7A  }
0x23: {  	s9 =	sor.u32 $0xD0000000, s2;
	s6 =	simm.s32 $0x108;
	_ =	swait.ge @!p0 [sflag:s8], $0x0  }
0x24: {  	s3 =	sadd.s32 $0x88, s3;
	s6 =	simm.s32 @!p1 $0x1082;
	[sflag:s4] =	ssyncset.s32 $0xFFFFF086  }
0x25: {  	[simem:s6], [sflag:s4] =	dma.local [hbm:s3], $0xF7A  }
0x26: {  	[smem:$0x3F92] =	sst s1;
	(tag) =	ssettag s2;
	_ =	strace s9  }
0x27: {  	s1 =	sld [smem:$0x3FA2]  }
0x28: {  	s2 =	sld [smem:$0x3FA3]  }
0x29: {  	s4 =	sld [smem:$0x3FA5]  }
0x2a: {  	p0 =	seq.s32 s5, $0x0;
	s5 =	sld [smem:$0x3FA6]  }
0x2b: {  	s6 =	sld [smem:$0x3FA7]  }
0x2c: {  	s7 =	sld [smem:$0x3FA8]  }
0x2d: {  	s3 =	simm.s32 $0x108;
	s8 =	sld [smem:$0x3FA9]  }
0x2e: {  	s3 =	simm.s32 @!p0 $0x1082;
	s9 =	sld [smem:$0x3FAA]  }
0x2f: {  	lr =	sadd.s32 s0, s3;
	s0 =	sld [smem:$0x3FA1]  }
0x30: {  	s3 =	sld [smem:$0x3FA4]  }
0x31: {  	[smem:$0x3FAD] =	sst s10  }
0x32: {  	s10 =	sld [smem:$0x3FAB];
	_ =	sdelay $0x3  }
0x33: {  	p0 =	seq.s32 s10, $0x1;
	s10 =	sld [smem:$0x3FAD];
	_ =	sdelay $0x3  }
0x34: {  	[smem:$0x3FAD] =	sst s10  }
0x35: {  	s10 =	sld [smem:$0x3FAC];
	_ =	sdelay $0x3  }
0x36: {  	p1 =	seq.s32 s10, $0x1;
	s10 =	sld [smem:$0x3FAD];
	_ =	sdelay $0x3  }
0x37: {  	[smem:$0x3FAD] =	sst s10  }
0x38: {  	s10 =	sld [smem:$0x3FAE]  }
0x39: {  	_ = 	snop;
	(pc) =	sbr.ind lr, $3  }
0x3a: {  	_ = 	snop  }
0x3b: {  	_ = 	snop  }
0x3c: {  	p2 =	seq.s32 s10, $0x1;
	s10 =	sld [smem:$0x3FAD]  }
0x3d: {  	_ =	shalt  }
0x3e: {  	_ =	shalt  }
0x3f: {  	_ =	shalt  }
0x40: {  	_ =	shalt  }
0x41: {  	_ =	shalt  }
0x42: {  	_ =	shalt  }
0x43: {  	_ =	shalt  }
0x44: {  	_ =	shalt  }
0x45: {  	_ =	shalt  }
0x46: {  	_ =	shalt  }
0x47: {  	_ =	shalt  }
0x48: {  	_ =	shalt  }
0x49: {  	_ =	shalt  }
0x4a: {  	_ =	shalt  }
0x4b: {  	_ =	shalt  }
0x4c: {  	_ =	shalt  }
0x4d: {  	_ =	shalt  }
0x4e: {  	_ =	shalt  }
0x4f: {  	_ =	shalt  }
0x50: {  	_ =	shalt  }
0x51: {  	_ =	shalt  }
0x52: {  	_ =	shalt  }
0x53: {  	_ =	shalt  }
0x54: {  	_ =	shalt  }
0x55: {  	_ =	shalt  }
0x56: {  	_ =	shalt  }
0x57: {  	_ =	shalt  }
0x58: {  	_ =	shalt  }
0x59: {  	_ =	shalt  }
0x5a: {  	_ =	shalt  }
0x5b: {  	_ =	shalt  }
0x5c: {  	_ =	shalt  }
0x5d: {  	_ =	shalt  }
0x5e: {  	_ =	shalt  }
0x5f: {  	_ =	shalt  }
0x60: {  	_ =	shalt  }
0x61: {  	_ =	shalt  }
0x62: {  	_ =	shalt  }
0x63: {  	_ =	shalt  }
0x64: {  	_ =	shalt  }
0x65: {  	_ =	shalt  }
0x66: {  	_ =	shalt  }
0x67: {  	_ =	shalt  }
0x68: {  	_ =	shalt  }
0x69: {  	_ =	shalt  }
0x6a: {  	_ =	shalt  }
0x6b: {  	_ =	shalt  }
0x6c: {  	_ =	shalt  }
0x6d: {  	_ =	shalt  }
0x6e: {  	_ =	shalt  }
0x6f: {  	_ =	shalt  }
0x70: {  	_ =	shalt  }
0x71: {  	_ =	shalt  }
0x72: {  	_ =	shalt  }
0x73: {  	_ =	shalt  }
0x74: {  	_ =	shalt  }
0x75: {  	_ =	shalt  }
0x76: {  	_ =	shalt  }
0x77: {  	_ =	shalt  }
0x78: {  	_ =	shalt  }
0x79: {  	_ =	shalt  }
0x7a: {  	_ =	shalt  }
0x7b: {  	_ =	shalt  }
0x7c: {  	_ =	shalt  }
0x7d: {  	_ =	shalt  }
0x7e: {  	_ =	shalt  }
0x7f: {  	_ =	shalt  }
0x80: {  	_ =	shalt  }
0x81: {  	_ =	shalt  }
0x82: {  	_ =	shalt  }
0x83: {  	_ =	shalt  }
0x84: {  	_ =	shalt  }
0x85: {  	_ =	shalt  }
0x86: {  	_ =	shalt  }
0x87: {  	_ =	shalt  }
.Lfunc_end0:
.L_simem_size_0:
called_computation_lowered:
.L_overlay_start_0:
0x88: {  	s2 =	sld [smem:$0x3FD9]  }
0x89: {  	s3 =	sld [smem:$0x3FFE];
	_ =	sdelay $0x1  }
0x8a: {  	s1 =	srdreg.scid  }
0x8b: {  	s0 =	sand.u32 $0x1, s1  }
0x8c: {  	s17 =	sshll.u32 s0, $0xA;
	s2 =	sadd.s32 s3, s2  }
0x8d: {  	s2 =	sadd.s32 s2, s17  }
0x8e: {  	[smem:$0x3FB9] =	sst s2  }
0x8f: {  	_ = 	snop  }
0x90: {  	s2 =	sld [smem:$0x3FC9]  }
0x91: {  	s18 =	sld [smem:$0x3FC8]  }
0x92: {  	s4 =	sld [smem:$0x3FC7]  }
0x93: {  	s5 =	sld [smem:$0x3FC6]  }
0x94: {  	s6 =	sld [smem:$0x3FD0];
	(tm) =	ssettm $0x1  }
0x95: {  	s7 =	sld [smem:$0x3FFB];
	_ =	sdelay $0x3  }
0x96: {  	_ =	strace s7  }
0x97: {  	s7 =	sld [smem:$0x3FFC];
	_ =	sdelay $0x3  }
0x98: {  	_ =	strace s7  }
0x99: {  	s7 =	sld [smem:$0x3FFD];
	_ =	sdelay $0x3  }
0x9a: {  	_ =	strace s7  }
0x9b: {  	_ =	strace $0x8FFFFFFF  }
0x9c: {  	s19 =	sld [smem:$0x3FDB];
	_ =	sdelay $0x1  }
0x9d: {  	s8 =	simm.s32 $_scs_section_size  }
0x9e: {  	s9 =	simm.s32 $_size__tile_overlayer_lowered;
	s10 =	simm.s32 $_tile_overlayer_lowered  }
0x9f: {  	s22 =	simm.s32 $0x1BFF;
	s21 =	sshll.u32 s10, $0x1;
	s7 =	sadd.s32 s8, s19  }
0xa0: {  	s11 =	simm.s32 $0x0;
	s20 =	sshll.u32 s9, $0x1;
	s9 =	sadd.s32 s21, s7  }
0xa1: {  	[timem:s11], [sflag:s22] =	dma.local [hbm:s9], s20  }
0xa2: {  	_ =	swait.ge [sflag:s22], s20  }
0xa3: {  	s8 =	ssub.s32 $0x0, s20;
	[sflag:s22] =	ssyncset.done $0x0  }
0xa4: {  	[sflag:s22] =	ssyncadd.s32 s8;
	_ =	sdelay $0x1  }
0xa5: {  	s23 =	simm.s32 $0x1B8B  }
0xa6: {  	_ =	swait.ge [sflag:s23], $0x1  }
0xa7: {  	[sflag:s23] =	ssyncset.done $0x0  }
0xa8: {  	s25 =	simm.s32 $0x1B8E;
	s24 =	sld [smem:$0x3FFE];
	[sflag:s23] =	ssyncadd.s32 $0xFFFFFFFF  }
0xa9: {  	s26 =	simm.s32 $execute0_lowered;
	[smem:$0x3FD2] =	sst s25  }
0xaa: {  	s9 =	sshll.u32 s26, $0x1;
	_ =	strace $0x80000046;
	[dreg:$0x1] =	wrdreg $0xFFFFFFFF  }
0xab: {  	s28 =	simm.s32 $_size_execute0_lowered;
	s7 =	sadd.s32 s7, s9;
	[dreg:$0x0] =	wrdreg $0x0  }
0xac: {  	s9 =	sshll.u32 s28, $0x1;
	[dreg:$0x2] =	wrdreg s7  }
0xad: {  	[dreg:$0x3] =	wrdreg s9  }
0xae: {  	[dreg:$0x4] =	wrdreg $0xC0  }
0xaf: {  	_ =	task [dreg:s11], $0x5FFFF  }
0xb0: {  	[dreg:$0x1] =	wrdreg $0xFFFFFFFF  }
0xb1: {  	[dreg:$0x0] =	wrdreg $0x60  }
0xb2: {  	[dreg:$0x2] =	wrdreg s2  }
0xb3: {  	[dreg:$0x3] =	wrdreg s18  }
0xb4: {  	[dreg:$0x4] =	wrdreg s4  }
0xb5: {  	[dreg:$0x5] =	wrdreg s5  }
0xb6: {  	[dreg:$0x6] =	wrdreg s24  }
0xb7: {  	[dreg:$0x7] =	wrdreg s6  }
0xb8: {  	[dreg:$0x8] =	wrdreg $0x9  }
0xb9: {  	_ =	task.clear_ibuf [dreg:s11], $0x9FFFF;
	_ =	strace $0x90000046  }
0xba: {  	s29 =	simm.s32 $0x9;
	_ =	strace $0x80000048  }
0xbb: {  	_ =	swait.ge [sflag:s29], $0x1  }
0xbc: {  	[sflag:s29] =	ssyncadd.s32 $0xFFFFFFFF  }
0xbd: {  	_ =	strace $0x90000048  }
0xbe: {  	_ =	sfence  }
0xbf: {  	s30 =	sld [smem:$0x0];
	_ =	sdelay $0x2  }
0xc0: {  	s31 =	sshll.u32 s1, $0xD;
	s1 =	sshrl.u32 s1, $0x2  }
0xc1: {  	s3 =	sand.u32 $0x4000, s31;
	s1 =	sadd.s32 s1, s30  }
0xc2: {  	s0 =	sor.u32 s3, s0;
	s1 =	sshll.u32 s1, $0x11  }
0xc3: {  	s0 =	sor.u32 s1, s0  }
0xc4: {  	s0 =	sadd.s32 $0x8F2B, s0  }
0xc5: {  	[sflag:s0] =	ssyncadd.remote.s32 $0x1  }
0xc6: {  	_ =	sfence.sel $0xFFFF  }
0xc7: {  	[dreg:$0x0] =	wrdreg $0xFFFFFFFF;
	(pc) =	sbr.abs _section_cstart, $3  }
0xc8: {  	[dreg:$0x1] =	wrdreg $0xFFFFFFFF  }
0xc9: {  	_ =	task.clear_ibuf [dreg:s11], $0x2FFFF;
	_ =	strace $0x9FFFFFFF  }
0xca: {  	(tm) =	ssettm $0x7FFFFFFF  }
0xcb: {  	_ =	shalt  }
tec
execute0_lowered:
.L_overlay_start_1:
0x0: {  	(tag) =	ssettag $0x1  }
0x1: {  	s4 =	rddreg [dreg:$0x0]  }
0x2: {  	s5 =	rddreg [dreg:$0x1]  }
0x3: {  	s6 =	rddreg [dreg:$0x2]  }
0x4: {  	s8 =	rddreg [dreg:$0x3]  }
0x5: {  	s3 =	rddreg [dreg:$0x4]  }
0x6: {  	s7 =	rddreg [dreg:$0x5]  }
0x7: {  	s0 =	rddreg [dreg:$0x6]  }
0x8: {  	s2 =	simm.s32 $0x0;
	s9 =	srdreg.scid;
	s1 =	stileid.u32  }
0x9: {  	s14 =	simm.s32 $0x400;
	s15 =	simm.s32 $0x600;
	s16 =	simm.s32 $0x1  }
0xa: {  	s17 =	simm.s32 $0x80;
	s18 =	simm.s32 $0x800;
	s19 =	simm.s32 $0xA00  }
0xb: {  	s20 =	simm.s32 $0x880;
	s21 =	simm.s32 $0x4A00;
	s22 =	simm.s32 $0x900  }
0xc: {  	s23 =	simm.s32 $0x8A00;
	s24 =	simm.s32 $0x980;
	s26 =	simm.s32 $0x2  }
0xd: {  	s28 =	simm.s32 $0x3;
	[smem:$0x7FF] =	sst s2;
	s9 =	sand.u32 $0x1, s9  }
0xe: {  	s10 =	sshll.u32 s1, $0x1;
	s3 =	sadd.s32 $0x2000, s3;
	s11 =	ssub.s32 $0x2, s9  }
0xf: {  	_ =	strace $0x80000047;
	s9 =	sor.u32 s9, s10;
	s30 =	sshrl.u32 s11, $0x1  }
0x10: {  	s12 =	sshll.u32 s9, $0x6;
	s31 =	sshll.u32 s9, $0xD;
	s25 =	smul.u32 $0x60, s9  }
0x11: {  	s13 =	ssub.s32 s11, s30;
	s4 =	sadd.s32 s4, s12;
	s5 =	sadd.s32 s5, s12  }
0x12: {  	s6 =	sadd.s32 s6, s12;
	s7 =	sadd.s32 s7, s31;
	s8 =	sadd.s32 s8, s12  }
0x13: {  	s9 =	sadd.s32 $0x800, s7;
	s10 =	sadd.s32 $0x1000, s7;
	s11 =	sadd.s32 $0x1800, s7  }
0x14: {  	s12 =	smax.u32 s13, $0x1;
	s13 =	simm.s32 $0x200;
	v0 =	vmov s25;
	s25 =	simm.s32 $0xCA00  }
.LBB2_1:
0x15: {  	[tilespmem:s2], [sflag:$0x1] =	stream.linear.gather [hbm4b:s4+s2], $0x200, $0x38;
	[tilespmem:$0x10A00] =	vst v63  }
0x16: {  	_ = 	snop  }
0x17: {  	[tilespmem:s13], [sflag:$0x1] =	stream.linear.gather [hbm4b:s5+s2], $0x200, $0x38;
	[tilespmem:$0x10A00] =	vst v63  }
0x18: {  	_ = 	snop  }
0x19: {  	[tilespmem:s14], [sflag:$0x1] =	stream.linear.gather [hbm4b:s6+s2], $0x200, $0x38;
	[tilespmem:$0x10A00] =	vst v63  }
0x1a: {  	_ = 	snop  }
0x1b: {  	[tilespmem:s15], [sflag:$0x1] =	stream.linear.gather [hbm4b:s8+s2], $0x200, $0x38;
	[tilespmem:$0x10A00] =	vst v63  }
0x1c: {  	_ =	swait.ge [sflag:s16], $0x200  }
0x1d: {  	[sflag:s16] =	ssyncset.done $0x0  }
0x1e: {  	[sflag:s16] =	ssyncadd.s32 $0xFFFFFE00  }
0x1f: {  	_ =	swait.ge [sflag:s16], $0x200  }
0x20: {  	[sflag:s16] =	ssyncset.done $0x0  }
0x21: {  	[sflag:s16] =	ssyncadd.s32 $0xFFFFFE00  }
0x22: {  	_ =	swait.ge [sflag:s16], $0x200  }
0x23: {  	[sflag:s16] =	ssyncset.done $0x0  }
0x24: {  	[sflag:s16] =	ssyncadd.s32 $0xFFFFFE00  }
0x25: {  	_ =	swait.ge [sflag:s16], $0x200  }
0x26: {  	[sflag:s16] =	ssyncset.done $0x0  }
0x27: {  	[sflag:s16] =	ssyncadd.s32 $0xFFFFFE00  }
0x28: {  	v1 =	vld [tilespmem:$0x0]  }
0x29: {  	v2 =	vld [tilespmem:$0x200]  }
0x2a: {  	v3 =	vld [tilespmem:$0x400]  }
0x2b: {  	v4 =	vld [tilespmem:$0x600]  }
0x2c: {  	v5 =	vld [tilespmem:$0x10]  }
0x2d: {  	v6 =	vld [tilespmem:$0x210]  }
0x2e: {  	v8 =	vld [tilespmem:$0x610]  }
0x2f: {  	v9 =	vld [tilespmem:$0x20]  }
0x30: {  	v10 =	vld [tilespmem:$0x220]  }
0x31: {  	v12 =	vld [tilespmem:$0x620]  }
0x32: {  	v13 =	vld [tilespmem:$0x30]  }
0x33: {  	v14 =	vld [tilespmem:$0x230]  }
0x34: {  	v16 =	vld [tilespmem:$0x630]  }
0x35: {  	v17 =	vld [tilespmem:$0x40]  }
0x36: {  	v18 =	vld [tilespmem:$0x240]  }
0x37: {  	v29 =	vld [tilespmem:$0x640]  }
0x38: {  	v33 =	vld [tilespmem:$0x250]  }
0x39: {  	v39 =	vld [tilespmem:$0x60]  }
0x3a: {  	v43 =	vld [tilespmem:$0x260]  }
0x3b: {  	v45 =	vld [tilespmem:$0x70];
	v1 =	vshll.u32 v1, $0x3;
	v2 =	vshll.u32 v2, $0x1  }
0x3c: {  	v46 =	vld [tilespmem:$0x270];
	v28 =	vshll.u32 v6, $0x1;
	v31 =	vshll.u32 v9, $0x3;
	v32 =	vshll.u32 v10, $0x1  }
0x3d: {  	v36 =	vld [tilespmem:$0x650];
	v4 =	vadd.s32 v0, v4;
	v35 =	vadd.s32 v0, v8;
	v38 =	vshll.u32 v13, $0x3  }
0x3e: {  	v30 =	vld [tilespmem:$0x50];
	v40 =	vshll.u32 v14, $0x1;
	v41 =	vshll.u32 v17, $0x3;
	v42 =	vshll.u32 v18, $0x1  }
0x3f: {  	v7 =	vld [tilespmem:$0x410];
	v12 =	vadd.s32 v0, v12;
	v47 =	vadd.s32 v0, v16;
	v6 =	vadd.s32 v0, v29  }
0x40: {  	v11 =	vld [tilespmem:$0x420];
	v10 =	vshll.u32 v33, $0x1;
	v51 =	vshll.u32 v39, $0x3;
	v52 =	vshll.u32 v43, $0x1  }
0x41: {  	v34 =	vld [tilespmem:$0x450];
	v54 =	vshll.u32 v45, $0x3;
	v55 =	vshll.u32 v46, $0x1;
	v1 =	vadd.s32 v1, v2  }
0x42: {  	v57 =	vadd.s32 v0, v36;
	v2 =	vld [tilespmem:$0x440];
	v1 =	vadd.s32 v3, v1;
	v3 =	vshll.u32 v5, $0x3  }
0x43: {  	v15 =	vld [tilespmem:$0x430];
	v44 =	vadd.s32 v41, v42;
	v5 =	vshll.u32 v30, $0x3;
	v3 =	vadd.s32 v3, v28  }
0x44: {  	v1 =	vmul.u32 $0x3, v1;
	v3 =	vadd.s32 v7, v3;
	v7 =	vadd.s32 v31, v32  }
0x45: {  	v48 =	vld [tilespmem:$0x460];
	v56 =	vadd.s32 v54, v55;
	v5 =	vadd.s32 v5, v10;
	v7 =	vadd.s32 v11, v7  }
0x46: {  	v49 =	vld [tilespmem:$0x470];
	v3 =	vmul.u32 $0x3, v3;
	v1 =	vadd.s32 v1, v4;
	v37 =	vmul.u32 $0x3, v7  }
0x47: {  	v50 =	vld [tilespmem:$0x660];
	v7 =	vadd.s32 v38, v40;
	v2 =	vadd.s32 v2, v44;
	[tilespmem:$0x800] =	vst v1;
	v1 =	vadd.s32 v34, v5  }
0x48: {  	v53 =	vld [tilespmem:$0x670];
	v3 =	vadd.s32 v3, v35;
	v7 =	vadd.s32 v15, v7;
	v2 =	vmul.u32 $0x3, v2  }
0x49: {  	v1 =	vmul.u32 $0x3, v1;
	v4 =	vadd.s32 v37, v12;
	[tilespmem:$0x810] =	vst v3;
	v3 =	vadd.s32 v51, v52  }
0x4a: {  	v7 =	vmul.u32 $0x3, v7;
	v2 =	vadd.s32 v2, v6;
	[tilespmem:$0x820] =	vst v4;
	v3 =	vadd.s32 v48, v3  }
0x4b: {  	v4 =	vadd.s32 v49, v56;
	v1 =	vadd.s32 v1, v57;
	v3 =	vmul.u32 $0x3, v3;
	[tilespmem:$0x840] =	vst v2  }
0x4c: {  	v7 =	vadd.s32 v7, v47;
	v2 =	vadd.s32 v0, v50;
	v4 =	vmul.u32 $0x3, v4;
	[tilespmem:$0x850] =	vst v1  }
0x4d: {  	[tilespmem:$0x830] =	vst v7;
	v1 =	vadd.s32 v3, v2;
	v2 =	vadd.s32 v0, v53  }
0x4e: {  	[tilespmem:$0x860] =	vst v1;
	v1 =	vadd.s32 v4, v2  }
0x4f: {  	[tilespmem:$0x870] =	vst v1  }
0x50: {  	[tilespmem:s19], [sflag:$0x2] =	stream.indirect.gather [hbm4b:s3+s17], $0x80, s18, s17, $0xb8;
	[tilespmem:$0x10A00] =	vst v63  }
0x51: {  	v1 =	vld [tilespmem:$0x80]  }
0x52: {  	v2 =	vld [tilespmem:$0x280]  }
0x53: {  	v58 =	vld [tilespmem:$0x680]  }
0x54: {  	v60 =	vld [tilespmem:$0x290]  }
0x55: {  	v62 =	vld [tilespmem:$0x690]  }
0x56: {  	v63 =	vld [tilespmem:$0xA0]  }
0x57: {  	v21 =	vld [tilespmem:$0x2A0]  }
0x58: {  	v23 =	vld [tilespmem:$0x6A0]  }
0x59: {  	v24 =	vld [tilespmem:$0xB0]  }
0x5a: {  	v25 =	vld [tilespmem:$0x2B0]  }
0x5b: {  	v27 =	vld [tilespmem:$0x6B0]  }
0x5c: {  	v28 =	vld [tilespmem:$0xC0]  }
0x5d: {  	v29 =	vld [tilespmem:$0x2C0]  }
0x5e: {  	v31 =	vld [tilespmem:$0x6C0]  }
0x5f: {  	v32 =	vld [tilespmem:$0xD0]  }
0x60: {  	v35 =	vld [tilespmem:$0x2D0]  }
0x61: {  	v41 =	vld [tilespmem:$0xE0]  }
0x62: {  	v45 =	vld [tilespmem:$0x2E0]  }
0x63: {  	v47 =	vld [tilespmem:$0xF0];
	v1 =	vshll.u32 v1, $0x3;
	v2 =	vshll.u32 v2, $0x1  }
0x64: {  	v48 =	vld [tilespmem:$0x2F0];
	v30 =	vshll.u32 v60, $0x1;
	v33 =	vshll.u32 v63, $0x3;
	v34 =	vshll.u32 v21, $0x1  }
0x65: {  	v3 =	vld [tilespmem:$0x480];
	v4 =	vadd.s32 v0, v58;
	v37 =	vadd.s32 v0, v62;
	v40 =	vshll.u32 v24, $0x3  }
0x66: {  	v59 =	vld [tilespmem:$0x90];
	v42 =	vshll.u32 v25, $0x1;
	v43 =	vshll.u32 v28, $0x3;
	v44 =	vshll.u32 v29, $0x1  }
0x67: {  	v22 =	vld [tilespmem:$0x4A0];
	v12 =	vadd.s32 v0, v23;
	v49 =	vadd.s32 v0, v27;
	v6 =	vadd.s32 v0, v31  }
0x68: {  	v61 =	vld [tilespmem:$0x490];
	v5 =	vshll.u32 v32, $0x3;
	v10 =	vshll.u32 v35, $0x1;
	v53 =	vshll.u32 v41, $0x3  }
0x69: {  	v38 =	vld [tilespmem:$0x6D0];
	v54 =	vshll.u32 v45, $0x1;
	v56 =	vshll.u32 v47, $0x3;
	v57 =	vshll.u32 v48, $0x1  }
0x6a: {  	v26 =	vld [tilespmem:$0x4B0];
	v1 =	vadd.s32 v1, v2;
	v7 =	vadd.s32 v33, v34;
	v46 =	vadd.s32 v43, v44  }
0x6b: {  	v2 =	vld [tilespmem:$0x4C0];
	v5 =	vadd.s32 v5, v10;
	v1 =	vadd.s32 v3, v1;
	v3 =	vshll.u32 v59, $0x3  }
0x6c: {  	v36 =	vld [tilespmem:$0x4D0];
	v58 =	vadd.s32 v56, v57;
	v7 =	vadd.s32 v22, v7;
	v3 =	vadd.s32 v3, v30  }
0x6d: {  	v50 =	vld [tilespmem:$0x4E0];
	v1 =	vmul.u32 $0x3, v1;
	v39 =	vmul.u32 $0x3, v7;
	v3 =	vadd.s32 v61, v3  }
0x6e: {  	v51 =	vld [tilespmem:$0x4F0];
	v59 =	vadd.s32 v0, v38;
	v7 =	vadd.s32 v40, v42;
	v3 =	vmul.u32 $0x3, v3  }
0x6f: {  	v52 =	vld [tilespmem:$0x6E0];
	v7 =	vadd.s32 v26, v7;
	v1 =	vadd.s32 v1, v4;
	v4 =	vadd.s32 v39, v12  }
0x70: {  	v55 =	vld [tilespmem:$0x6F0];
	v7 =	vmul.u32 $0x3, v7;
	v2 =	vadd.s32 v2, v46;
	[tilespmem:$0x880] =	vst v1;
	v3 =	vadd.s32 v3, v37  }
0x71: {  	v1 =	vadd.s32 v36, v5;
	v2 =	vmul.u32 $0x3, v2;
	[tilespmem:$0x890] =	vst v3;
	v3 =	vadd.s32 v53, v54  }
0x72: {  	[tilespmem:$0x8A0] =	vst v4;
	v7 =	vadd.s32 v7, v49;
	v1 =	vmul.u32 $0x3, v1;
	v3 =	vadd.s32 v50, v3  }
0x73: {  	v4 =	vadd.s32 v51, v58;
	[tilespmem:$0x8B0] =	vst v7;
	v2 =	vadd.s32 v2, v6;
	v3 =	vmul.u32 $0x3, v3  }
0x74: {  	v4 =	vmul.u32 $0x3, v4;
	v1 =	vadd.s32 v1, v59;
	[tilespmem:$0x8C0] =	vst v2;
	v2 =	vadd.s32 v0, v52  }
0x75: {  	[tilespmem:$0x8D0] =	vst v1;
	v1 =	vadd.s32 v3, v2;
	v2 =	vadd.s32 v0, v55  }
0x76: {  	[tilespmem:$0x8E0] =	vst v1;
	v1 =	vadd.s32 v4, v2  }
0x77: {  	[tilespmem:$0x8F0] =	vst v1  }
0x78: {  	[tilespmem:s21], [sflag:$0x2] =	stream.indirect.gather [hbm4b:s3+s17], $0x80, s20, s17, $0xb8;
	[tilespmem:$0x10A00] =	vst v63  }
0x79: {  	v1 =	vld [tilespmem:$0x100]  }
0x7a: {  	v2 =	vld [tilespmem:$0x300]  }
0x7b: {  	v60 =	vld [tilespmem:$0x700]  }
0x7c: {  	v62 =	vld [tilespmem:$0x310]  }
0x7d: {  	v21 =	vld [tilespmem:$0x710]  }
0x7e: {  	v22 =	vld [tilespmem:$0x120]  }
0x7f: {  	v23 =	vld [tilespmem:$0x320]  }
0x80: {  	v25 =	vld [tilespmem:$0x720]  }
0x81: {  	v26 =	vld [tilespmem:$0x130]  }
0x82: {  	v27 =	vld [tilespmem:$0x330]  }
0x83: {  	v29 =	vld [tilespmem:$0x730]  }
0x84: {  	v30 =	vld [tilespmem:$0x140]  }
0x85: {  	v31 =	vld [tilespmem:$0x340]  }
0x86: {  	v33 =	vld [tilespmem:$0x740]  }
0x87: {  	v34 =	vld [tilespmem:$0x150]  }
0x88: {  	v37 =	vld [tilespmem:$0x350]  }
0x89: {  	v43 =	vld [tilespmem:$0x160]  }
0x8a: {  	v47 =	vld [tilespmem:$0x360]  }
0x8b: {  	v49 =	vld [tilespmem:$0x170];
	v1 =	vshll.u32 v1, $0x3;
	v2 =	vshll.u32 v2, $0x1  }
0x8c: {  	v50 =	vld [tilespmem:$0x370];
	v32 =	vshll.u32 v62, $0x1;
	v35 =	vshll.u32 v22, $0x3;
	v36 =	vshll.u32 v23, $0x1  }
0x8d: {  	v3 =	vld [tilespmem:$0x500];
	v4 =	vadd.s32 v0, v60;
	v39 =	vadd.s32 v0, v21;
	v42 =	vshll.u32 v26, $0x3  }
0x8e: {  	v61 =	vld [tilespmem:$0x110];
	v44 =	vshll.u32 v27, $0x1;
	v45 =	vshll.u32 v30, $0x3;
	v46 =	vshll.u32 v31, $0x1  }
0x8f: {  	v24 =	vld [tilespmem:$0x520];
	v12 =	vadd.s32 v0, v25;
	v51 =	vadd.s32 v0, v29;
	v6 =	vadd.s32 v0, v33  }
0x90: {  	v63 =	vld [tilespmem:$0x510];
	v5 =	vshll.u32 v34, $0x3;
	v10 =	vshll.u32 v37, $0x1;
	v55 =	vshll.u32 v43, $0x3  }
0x91: {  	v40 =	vld [tilespmem:$0x750];
	v56 =	vshll.u32 v47, $0x1;
	v58 =	vshll.u32 v49, $0x3;
	v59 =	vshll.u32 v50, $0x1  }
0x92: {  	v28 =	vld [tilespmem:$0x530];
	v1 =	vadd.s32 v1, v2;
	v7 =	vadd.s32 v35, v36;
	v48 =	vadd.s32 v45, v46  }
0x93: {  	v2 =	vld [tilespmem:$0x540];
	v5 =	vadd.s32 v5, v10;
	v1 =	vadd.s32 v3, v1;
	v3 =	vshll.u32 v61, $0x3  }
0x94: {  	v38 =	vld [tilespmem:$0x550];
	v60 =	vadd.s32 v58, v59;
	v7 =	vadd.s32 v24, v7;
	v3 =	vadd.s32 v3, v32  }
0x95: {  	v52 =	vld [tilespmem:$0x560];
	v1 =	vmul.u32 $0x3, v1;
	v41 =	vmul.u32 $0x3, v7;
	v3 =	vadd.s32 v63, v3  }
0x96: {  	v53 =	vld [tilespmem:$0x570];
	v61 =	vadd.s32 v0, v40;
	v7 =	vadd.s32 v42, v44;
	v3 =	vmul.u32 $0x3, v3  }
0x97: {  	v54 =	vld [tilespmem:$0x760];
	v7 =	vadd.s32 v28, v7;
	v1 =	vadd.s32 v1, v4;
	v4 =	vadd.s32 v41, v12  }
0x98: {  	v57 =	vld [tilespmem:$0x770];
	v7 =	vmul.u32 $0x3, v7;
	v2 =	vadd.s32 v2, v48;
	[tilespmem:$0x900] =	vst v1;
	v3 =	vadd.s32 v3, v39  }
0x99: {  	v1 =	vadd.s32 v38, v5;
	v2 =	vmul.u32 $0x3, v2;
	[tilespmem:$0x910] =	vst v3;
	v3 =	vadd.s32 v55, v56  }
0x9a: {  	[tilespmem:$0x920] =	vst v4;
	v7 =	vadd.s32 v7, v51;
	v1 =	vmul.u32 $0x3, v1;
	v3 =	vadd.s32 v52, v3  }
0x9b: {  	v4 =	vadd.s32 v53, v60;
	[tilespmem:$0x930] =	vst v7;
	v2 =	vadd.s32 v2, v6;
	v3 =	vmul.u32 $0x3, v3  }
0x9c: {  	v4 =	vmul.u32 $0x3, v4;
	v1 =	vadd.s32 v1, v61;
	[tilespmem:$0x940] =	vst v2;
	v2 =	vadd.s32 v0, v54  }
0x9d: {  	[tilespmem:$0x950] =	vst v1;
	v1 =	vadd.s32 v3, v2;
	v2 =	vadd.s32 v0, v57  }
0x9e: {  	[tilespmem:$0x960] =	vst v1;
	v1 =	vadd.s32 v4, v2  }
0x9f: {  	[tilespmem:$0x970] =	vst v1  }
0xa0: {  	[tilespmem:s23], [sflag:$0x2] =	stream.indirect.gather [hbm4b:s3+s17], $0x80, s22, s17, $0xb8;
	[tilespmem:$0x10A00] =	vst v63  }
0xa1: {  	v1 =	vld [tilespmem:$0x180]  }
0xa2: {  	v2 =	vld [tilespmem:$0x380]  }
0xa3: {  	v62 =	vld [tilespmem:$0x780]  }
0xa4: {  	v21 =	vld [tilespmem:$0x390]  }
0xa5: {  	v23 =	vld [tilespmem:$0x790]  }
0xa6: {  	v24 =	vld [tilespmem:$0x1A0]  }
0xa7: {  	v25 =	vld [tilespmem:$0x3A0]  }
0xa8: {  	v27 =	vld [tilespmem:$0x7A0]  }
0xa9: {  	v28 =	vld [tilespmem:$0x1B0]  }
0xaa: {  	v29 =	vld [tilespmem:$0x3B0]  }
0xab: {  	v31 =	vld [tilespmem:$0x7B0]  }
0xac: {  	v32 =	vld [tilespmem:$0x1C0]  }
0xad: {  	v33 =	vld [tilespmem:$0x3C0]  }
0xae: {  	v35 =	vld [tilespmem:$0x7C0]  }
0xaf: {  	v36 =	vld [tilespmem:$0x1D0]  }
0xb0: {  	v39 =	vld [tilespmem:$0x3D0]  }
0xb1: {  	v45 =	vld [tilespmem:$0x1E0]  }
0xb2: {  	v49 =	vld [tilespmem:$0x3E0]  }
0xb3: {  	v51 =	vld [tilespmem:$0x1F0];
	v1 =	vshll.u32 v1, $0x3;
	v2 =	vshll.u32 v2, $0x1  }
0xb4: {  	v52 =	vld [tilespmem:$0x3F0];
	v34 =	vshll.u32 v21, $0x1;
	v37 =	vshll.u32 v24, $0x3;
	v38 =	vshll.u32 v25, $0x1  }
0xb5: {  	v3 =	vld [tilespmem:$0x580];
	v4 =	vadd.s32 v0, v62;
	v41 =	vadd.s32 v0, v23;
	v44 =	vshll.u32 v28, $0x3  }
0xb6: {  	v63 =	vld [tilespmem:$0x190];
	v46 =	vshll.u32 v29, $0x1;
	v47 =	vshll.u32 v32, $0x3;
	v48 =	vshll.u32 v33, $0x1  }
0xb7: {  	v26 =	vld [tilespmem:$0x5A0];
	v12 =	vadd.s32 v0, v27;
	v53 =	vadd.s32 v0, v31;
	v6 =	vadd.s32 v0, v35  }
0xb8: {  	v22 =	vld [tilespmem:$0x590];
	v5 =	vshll.u32 v36, $0x3;
	v10 =	vshll.u32 v39, $0x1;
	v57 =	vshll.u32 v45, $0x3  }
0xb9: {  	v42 =	vld [tilespmem:$0x7D0];
	v58 =	vshll.u32 v49, $0x1;
	v60 =	vshll.u32 v51, $0x3;
	v61 =	vshll.u32 v52, $0x1  }
0xba: {  	v30 =	vld [tilespmem:$0x5B0];
	v1 =	vadd.s32 v1, v2;
	v7 =	vadd.s32 v37, v38;
	v50 =	vadd.s32 v47, v48  }
0xbb: {  	v2 =	vld [tilespmem:$0x5C0];
	v5 =	vadd.s32 v5, v10;
	v1 =	vadd.s32 v3, v1;
	v3 =	vshll.u32 v63, $0x3  }
0xbc: {  	v40 =	vld [tilespmem:$0x5D0];
	v62 =	vadd.s32 v60, v61;
	v7 =	vadd.s32 v26, v7;
	v3 =	vadd.s32 v3, v34  }
0xbd: {  	v54 =	vld [tilespmem:$0x5E0];
	v1 =	vmul.u32 $0x3, v1;
	v43 =	vmul.u32 $0x3, v7;
	v3 =	vadd.s32 v22, v3  }
0xbe: {  	v55 =	vld [tilespmem:$0x5F0];
	v63 =	vadd.s32 v0, v42;
	v7 =	vadd.s32 v44, v46;
	v3 =	vmul.u32 $0x3, v3  }
0xbf: {  	v56 =	vld [tilespmem:$0x7E0];
	v7 =	vadd.s32 v30, v7;
	v1 =	vadd.s32 v1, v4;
	v4 =	vadd.s32 v43, v12  }
0xc0: {  	v59 =	vld [tilespmem:$0x7F0];
	v7 =	vmul.u32 $0x3, v7;
	v2 =	vadd.s32 v2, v50;
	[tilespmem:$0x980] =	vst v1;
	v3 =	vadd.s32 v3, v41  }
0xc1: {  	v1 =	vadd.s32 v40, v5;
	v2 =	vmul.u32 $0x3, v2;
	[tilespmem:$0x990] =	vst v3;
	v3 =	vadd.s32 v57, v58  }
0xc2: {  	[tilespmem:$0x9A0] =	vst v4;
	v7 =	vadd.s32 v7, v53;
	v1 =	vmul.u32 $0x3, v1;
	v3 =	vadd.s32 v54, v3  }
0xc3: {  	v4 =	vadd.s32 v55, v62;
	[tilespmem:$0x9B0] =	vst v7;
	v2 =	vadd.s32 v2, v6;
	v3 =	vmul.u32 $0x3, v3  }
0xc4: {  	v4 =	vmul.u32 $0x3, v4;
	v1 =	vadd.s32 v1, v63;
	[tilespmem:$0x9C0] =	vst v2;
	v2 =	vadd.s32 v0, v56  }
0xc5: {  	[tilespmem:$0x9D0] =	vst v1;
	v1 =	vadd.s32 v3, v2;
	v2 =	vadd.s32 v0, v59  }
0xc6: {  	[tilespmem:$0x9E0] =	vst v1;
	v1 =	vadd.s32 v4, v2  }
0xc7: {  	[tilespmem:$0x9F0] =	vst v1  }
0xc8: {  	[tilespmem:s25], [sflag:$0x2] =	stream.indirect.gather [hbm4b:s3+s17], $0x80, s24, s17, $0xb8;
	[tilespmem:$0x10A00] =	vst v63  }
0xc9: {  	_ =	swait.ge [sflag:s26], $0x4000  }
0xca: {  	[sflag:s26] =	ssyncset.done $0x0  }
0xcb: {  	[sflag:s26] =	ssyncadd.s32 $0xFFFFC000  }
0xcc: {  	[hbm4b:s7+s2] =	stream.linear.scatter [tilespmem:s19], [sflag:$0x3], $0x4000, $0x38;
	[tilespmem:$0x10A00] =	vst v63  }
0xcd: {  	_ =	swait.ge [sflag:s26], $0x4000  }
0xce: {  	[sflag:s26] =	ssyncset.done $0x0  }
0xcf: {  	[sflag:s26] =	ssyncadd.s32 $0xFFFFC000  }
0xd0: {  	[hbm4b:s9+s2] =	stream.linear.scatter [tilespmem:s21], [sflag:$0x3], $0x4000, $0x38;
	[tilespmem:$0x10A00] =	vst v63  }
0xd1: {  	_ =	swait.ge [sflag:s26], $0x4000  }
0xd2: {  	[sflag:s26] =	ssyncset.done $0x0  }
0xd3: {  	[sflag:s26] =	ssyncadd.s32 $0xFFFFC000  }
0xd4: {  	[hbm4b:s10+s2] =	stream.linear.scatter [tilespmem:s23], [sflag:$0x3], $0x4000, $0x38;
	[tilespmem:$0x10A00] =	vst v63  }
0xd5: {  	_ =	swait.ge [sflag:s26], $0x4000  }
0xd6: {  	[sflag:s26] =	ssyncset.done $0x0  }
0xd7: {  	[sflag:s26] =	ssyncadd.s32 $0xFFFFC000  }
0xd8: {  	[hbm4b:s11+s2] =	stream.linear.scatter [tilespmem:s25], [sflag:$0x3], $0x4000, $0x38;
	[tilespmem:$0x10A00] =	vst v63  }
0xd9: {  	_ =	swait.ge [sflag:s28], $0x4000  }
0xda: {  	[sflag:s28] =	ssyncset.done $0x0  }
0xdb: {  	[sflag:s28] =	ssyncadd.s32 $0xFFFFC000  }
0xdc: {  	_ =	swait.ge [sflag:s28], $0x4000  }
0xdd: {  	[sflag:s28] =	ssyncset.done $0x0  }
0xde: {  	[sflag:s28] =	ssyncadd.s32 $0xFFFFC000  }
0xdf: {  	p0 =	sne.s32 s12, $0x1;
	_ =	swait.ge [sflag:s28], $0x4000  }
.Ltmp0:
0xe0: {  	[sflag:s28] =	ssyncset.done $0x0;
	(pc) =	sbr.rel @p0 .LBB2_1-.Ltmp0, $4  }
0xe1: {  	[sflag:s28] =	ssyncadd.s32 $0xFFFFC000  }
0xe2: {  	_ =	swait.ge [sflag:s28], $0x4000  }
0xe3: {  	[sflag:s28] =	ssyncset.done $0x0  }
0xe4: {  	s12 =	sadd.s32 $0xFFFFFFFF, s12;
	[sflag:s28] =	ssyncadd.s32 $0xFFFFC000  }
0xe5: {  	_ =	sfence.sel $0x180000  }
0xe6: {  	[bflag:$0x0] =	sbarrier.arrive $0xFFFF  }
0xe7: {  	p0 =	sne.s32 s1, $0x0;
	_ =	strace $0x90000047  }
0xe8: {  	s0 =	sadd.s32 @!p0 $0x100000, s0;
	[bflag:$0x2] =	sbarrier.arrive $0xFFFF  }
0xe9: {  	[sflag:s0] =	ssyncadd.tile.s32 @!p0 $0x1;
	_ =	shalt  }
.Lfunc_end2:
_tile_overlayer_lowered:
.L_overlay_start_2:
0xea: {  	(tag) =	ssettag $0x2  }
0xeb: {  	s0 =	rddreg [dreg:$0x0];
	s2 =	stileid.u32  }
0xec: {  	s1 =	rddreg [dreg:$0x1];
	p0 =	sne.s32 s2, $0x0  }
0xed: {  	s3 =	rddreg [dreg:$0x2];
	[bflag:$0x3] =	sbarrier.arrive $0xFFFF;
	s2 =	simm.s32 @!p0 $0x1C04  }
0xee: {  	[timem:s3], [sflag:s2] =	dma.local @!p0 [hbm:s0], s1  }
0xef: {  	s0 =	simm.s32 @!p0 $0x4  }
0xf0: {  	_ =	swait.ge @!p0 [sflag:s0], s1  }
0xf1: {  	s1 =	ssub.s32 @!p0 $0x0, s1;
	[sflag:s0] =	ssyncset.done @!p0 $0x0  }
0xf2: {  	[sflag:s0] =	ssyncadd.s32 @!p0 s1  }
0xf3: {  	[bflag:$0x3] =	sbarrier.arrive $0xFFFF  }
0xf4: {  	_ =	shalt  }

</sc_bundles>
